<compile_context>
chip_gen: v7x
topology: tpu7x:2x2x1
jax: 0.10.2.dev20260603
libtpu: 0.0.44.dev20260713+nightly
codegen_flags: <defaults>
</compile_context>

<pallas_src>
import jax
import jax.numpy as jnp
from jax import lax
from jax.experimental import pallas as pl
from jax.experimental.pallas import tpu as pltpu
from jax.experimental.pallas import tpu_sc as plsc

_EPS = 1.0
_LAMB = 0.5
_N_NODES = 50000
_N_EDGES = 1600000

_NW = 32
_E_PER_W = _N_EDGES // _NW
_GCH = 25000
_NODE_WORKERS = 25
_NCH = _N_NODES // _NODE_WORKERS


def _node_nll_partial(mu_b, s2_b, v0_b, v1_b, nvec, acc):

    def body(j, a):
        o = j * 16
        mu = mu_b[pl.ds(o, 16)]
        s2 = s2_b[pl.ds(o, 16)]
        v0 = v0_b[pl.ds(o, 16)]
        v1 = v1_b[pl.ds(o, 16)]
        x = s2 + _EPS
        t = s2 / (s2 + 2.0)
        t2 = t * t
        lg = t * (2.0 + t2 * (2.0 / 3.0 + t2 * (2.0 / 5.0 + t2 * (2.0 / 7.0 + t2 * (2.0 / 9.0)))))
        d = v0 - mu
        return a + (0.5 * lg + d * d / x) * v1

    return lax.fori_loop(0, nvec, body, acc)


def _gather_body(n_mu, n_s2, e_mu, e_s2, nkey, nv0, nv1, ekey,
                 out_np, gemu, ges2,
                 key_b, mu0_b, s20_b, mu1_b, s21_b, stage_b, semg, semw):
    cid = lax.axis_index("c")
    sid = lax.axis_index("s")
    wid = sid * 2 + cid

    stage_b[...] = jnp.zeros((16,), jnp.float32)

    @pl.when(wid < _NODE_WORKERS)
    def _():
        nb = pl.multiple_of(wid * _NCH, 8)
        kv = key_b.at[pl.ds(0, _NCH)]
        pltpu.sync_copy(nkey.at[pl.ds(nb, _NCH)], kv)
        c0 = pltpu.async_copy(n_mu.at[kv], mu0_b.at[pl.ds(0, _NCH)], semg)
        c1 = pltpu.async_copy(n_s2.at[kv], s20_b.at[pl.ds(0, _NCH)], semg)
        c2 = pltpu.async_copy(nv0.at[pl.ds(nb, _NCH)], mu1_b.at[pl.ds(0, _NCH)], semw)
        c3 = pltpu.async_copy(nv1.at[pl.ds(nb, _NCH)], s21_b.at[pl.ds(0, _NCH)], semw)
        c0.wait()
        c1.wait()
        c2.wait()
        c3.wait()
        acc = _node_nll_partial(mu0_b, s20_b, mu1_b, s21_b, _NCH // 16,
                                jnp.zeros((16,), jnp.float32))
        stage_b[...] = acc

    pltpu.sync_copy(stage_b, out_np.at[wid])

    eb0 = pl.multiple_of(wid * _E_PER_W, 8)
    eb1 = pl.multiple_of(wid * _E_PER_W + _GCH, 8)

    pltpu.sync_copy(ekey.at[pl.ds(eb0, _GCH)], key_b)
    g0m = pltpu.async_copy(e_mu.at[key_b], mu0_b, semg)
    g0s = pltpu.async_copy(e_s2.at[key_b], s20_b, semg)
    g0m.wait()
    g0s.wait()
    w0m = pltpu.async_copy(mu0_b, gemu.at[pl.ds(eb0, _GCH)], semw)
    w0s = pltpu.async_copy(s20_b, ges2.at[pl.ds(eb0, _GCH)], semw)

    pltpu.sync_copy(ekey.at[pl.ds(eb1, _GCH)], key_b)
    g1m = pltpu.async_copy(e_mu.at[key_b], mu1_b, semg)
    g1s = pltpu.async_copy(e_s2.at[key_b], s21_b, semg)
    g1m.wait()
    g1s.wait()
    w1m = pltpu.async_copy(mu1_b, gemu.at[pl.ds(eb1, _GCH)], semw)
    w1s = pltpu.async_copy(s21_b, ges2.at[pl.ds(eb1, _GCH)], semw)

    w0m.wait()
    w0s.wait()
    w1m.wait()
    w1s.wait()


_sc_gather = pl.kernel(
    _gather_body,
    out_type=(jax.ShapeDtypeStruct((_NW, 16), jnp.float32),
              jax.ShapeDtypeStruct((_N_EDGES,), jnp.float32),
              jax.ShapeDtypeStruct((_N_EDGES,), jnp.float32)),
    mesh=plsc.VectorSubcoreMesh(core_axis_name="c", subcore_axis_name="s"),
    scratch_types=[
        pltpu.VMEM((_GCH,), jnp.int32),
        pltpu.VMEM((_GCH,), jnp.float32),
        pltpu.VMEM((_GCH,), jnp.float32),
        pltpu.VMEM((_GCH,), jnp.float32),
        pltpu.VMEM((_GCH,), jnp.float32),
        pltpu.VMEM((16,), jnp.float32),
        pltpu.SemaphoreType.DMA,
        pltpu.SemaphoreType.DMA,
    ],
)

_EROWS = 12500
_BR = 2048
_GE = -(-_EROWS // _BR)
_TAILR = _EROWS - (_GE - 1) * _BR


def _nll_tc_body(np_ref, gemu, ges2, ev0, ev1,
                 on_ref, oe_ref, ot_ref, acce):
    pid = pl.program_id(0)

    @pl.when(pid == 0)
    def _():
        acce[0] = 0.0

    x = ges2[...] + _EPS
    d = ev0[...] - gemu[...]
    term = (0.5 * jnp.log(x) + d * d / x) * ev1[...]

    @pl.when(pid < _GE - 1)
    def _():
        acce[0] += jnp.sum(term)

    @pl.when(pid == _GE - 1)
    def _():
        rows = lax.broadcasted_iota(jnp.int32, (_BR, 128), 0)
        acce[0] += jnp.sum(jnp.where(rows < _TAILR, term, 0.0))
        e = acce[0] * (1.0 / _N_EDGES)
        n = jnp.sum(np_ref[...]) * (1.0 / _N_NODES)
        on_ref[0, 0] = n
        oe_ref[0, 0] = e
        ot_ref[0, 0] = n * _LAMB + e * (1.0 - _LAMB)


_nll_tc = pl.pallas_call(
    _nll_tc_body,
    grid=(_GE,),
    in_specs=[
        pl.BlockSpec((_NW, 16), lambda i: (0, 0)),
        pl.BlockSpec((_BR, 128), lambda i: (i, 0)),
        pl.BlockSpec((_BR, 128), lambda i: (i, 0)),
        pl.BlockSpec((_BR, 128), lambda i: (i, 0)),
        pl.BlockSpec((_BR, 128), lambda i: (i, 0)),
    ],
    out_shape=(jax.ShapeDtypeStruct((1, 1), jnp.float32),
               jax.ShapeDtypeStruct((1, 1), jnp.float32),
               jax.ShapeDtypeStruct((1, 1), jnp.float32)),
    out_specs=(pl.BlockSpec(memory_space=pltpu.SMEM),
               pl.BlockSpec(memory_space=pltpu.SMEM),
               pl.BlockSpec(memory_space=pltpu.SMEM)),
    scratch_shapes=[pltpu.SMEM((1,), jnp.float32)],
)


def kernel(n_mu, n_sigma2, e_mu, e_sigma2, batch_node_key, batch_node_value,
           batch_edge_key, batch_edge_value):
    node_pp, gemu, ges2 = _sc_gather(
        n_mu, n_sigma2, e_mu, e_sigma2,
        batch_node_key.astype(jnp.int32),
        batch_node_value[:, 0], batch_node_value[:, 1],
        batch_edge_key.astype(jnp.int32))
    on, oe, ot = _nll_tc(
        node_pp, gemu.reshape(_EROWS, 128), ges2.reshape(_EROWS, 128),
        batch_edge_value[:, 0].reshape(_EROWS, 128),
        batch_edge_value[:, 1].reshape(_EROWS, 128))
    return (on[0, 0], oe[0, 0], ot[0, 0])

# --- scband reference (transcript-rebuilt; emitter-appended) ---
"""Pipeline reference for scband-nllloss-6296422056083 (READ-ONLY COPY).

The authoritative reference and input builder live on the scoring server;
editing this copy changes nothing except your own understanding.
"""

import jax, jax.numpy as jnp
import numpy as np

EPS = 1.0
LAMB = 0.5
N_NODES = 50000
N_EDGES = 1600000


def setup_inputs(seed: int = 0) -> dict:
    key = jax.random.key(seed)
    k1, k2, k3, k4, k5, k6, k7, k8 = jax.random.split(key, 8)
    return {
        "n_mu": jax.random.normal(k1, (N_NODES,), dtype=jnp.float32),
        "n_sigma2": jax.random.uniform(k2, (N_NODES,), dtype=jnp.float32),
        "e_mu": jax.random.normal(k3, (N_EDGES,), dtype=jnp.float32),
        "e_sigma2": jax.random.uniform(k4, (N_EDGES,), dtype=jnp.float32),
        "batch_node_key": jax.random.randint(k5, (N_NODES,), 0, N_NODES, dtype=jnp.int64 if jax.config.jax_enable_x64 else jnp.int32),
        "batch_node_value": jax.random.normal(k6, (N_NODES, 2), dtype=jnp.float32),
        "batch_edge_key": jax.random.randint(k7, (N_EDGES,), 0, N_EDGES, dtype=jnp.int64 if jax.config.jax_enable_x64 else jnp.int32),
        "batch_edge_value": jax.random.normal(k8, (N_EDGES, 2), dtype=jnp.float32),
    }


def reference(n_mu, n_sigma2, e_mu, e_sigma2, batch_node_key, batch_node_value, batch_edge_key, batch_edge_value):
    # use_weight=False branch of the torch module (multiplies by value[:,1])
    pre_node_mu = jnp.take(n_mu, batch_node_key)
    pre_node_sigma2 = jnp.take(n_sigma2, batch_node_key)
    pre_edge_mu = jnp.take(e_mu, batch_edge_key)
    pre_edge_sigma2 = jnp.take(e_sigma2, batch_edge_key)

    node_loss = jnp.mean(
        (0.5 * jnp.log(EPS + pre_node_sigma2)
         + (batch_node_value[:, 0] - pre_node_mu) ** 2 / (EPS + pre_node_sigma2))
        * batch_node_value[:, 1]
    )
    edge_loss = jnp.mean(
        (0.5 * jnp.log(EPS + pre_edge_sigma2)
         + (batch_edge_value[:, 0] - pre_edge_mu) ** 2 / (EPS + pre_edge_sigma2))
        * batch_edge_value[:, 1]
    )
    total = node_loss * LAMB + edge_loss * (1.0 - LAMB)
    return (node_loss, edge_loss, total)

if __name__ == "__main__":
    import jax
    _d = setup_inputs()
    print(jax.jit(kernel)(*tuple(_d.values())))

</pallas_src>

<mosaic_0001>
#map = affine_map<(d0, d1) -> (0)>
#map1 = affine_map<(d0, d1) -> (0, 0)>
module attributes {stable_mosaic.version = 14 : i64} {
  func.func @_gather_body(%arg0: i32, %arg1: i32, %arg2: memref<50000xf32, #tpu.memory_space<hbm>>, %arg3: memref<50000xf32, #tpu.memory_space<hbm>>, %arg4: memref<1600000xf32, #tpu.memory_space<hbm>>, %arg5: memref<1600000xf32, #tpu.memory_space<hbm>>, %arg6: memref<50000xi32, #tpu.memory_space<hbm>>, %arg7: memref<50000xf32, #tpu.memory_space<hbm>>, %arg8: memref<50000xf32, #tpu.memory_space<hbm>>, %arg9: memref<1600000xi32, #tpu.memory_space<hbm>>, %arg10: memref<32x16xf32, #tpu.memory_space<hbm>>, %arg11: memref<1600000xf32, #tpu.memory_space<hbm>>, %arg12: memref<1600000xf32, #tpu.memory_space<hbm>>, %arg13: memref<25000xi32, #tpu.memory_space<vmem>>, %arg14: memref<25000xf32, #tpu.memory_space<vmem>>, %arg15: memref<25000xf32, #tpu.memory_space<vmem>>, %arg16: memref<25000xf32, #tpu.memory_space<vmem>>, %arg17: memref<25000xf32, #tpu.memory_space<vmem>>, %arg18: memref<16xf32, #tpu.memory_space<vmem>>, %arg19: memref<!tpu.dma_semaphore, #tpu.memory_space<semaphore_mem>>, %arg20: memref<!tpu.dma_semaphore, #tpu.memory_space<semaphore_mem>>) attributes {dimension_semantics = [#tpu.dimension_semantics<core_parallel>, #tpu.dimension_semantics<subcore_parallel>], iteration_bounds = array<i64: 2, 16>, scalar_prefetch = 0 : i64, scratch_operands = 8 : i64, tpu.core_type = #tpu.core_type<sc_vector_subcore>, window_params = [{transform_indices = #map}, {transform_indices = #map}, {transform_indices = #map}, {transform_indices = #map}, {transform_indices = #map}, {transform_indices = #map}, {transform_indices = #map}, {transform_indices = #map}, {transform_indices = #map1}, {transform_indices = #map}, {transform_indices = #map}]} {
    %mul3A = arith.constant 2 : i32
    %mul3A_0 = arith.muli %arg1, %mul3A : i32
    %add3A = arith.addi %mul3A_0, %arg0 : i32
    %broadcast_in_dim3A = arith.constant 0.000000e+00 : f32
    %broadcast_in_dim3A_1 = vector.broadcast %broadcast_in_dim3A : f32 to vector<16xf32>
    %swap3A = arith.constant 0 : index
    %swap3A_2 = tpu.vector_load %arg18[%swap3A] {strides = array<i32>} : memref<16xf32, #tpu.memory_space<vmem>>, vector<16xf32>,
    %swap3A_3 = vector.shape_cast %swap3A_2 : vector<16xf32> to vector<16xf32>
    %swap3A_4 = vector.shape_cast %broadcast_in_dim3A_1 : vector<16xf32> to vector<16xf32>
    tpu.vector_store %arg18[%swap3A], %swap3A_4 {strides = array<i32>} : memref<16xf32, #tpu.memory_space<vmem>>, vector<16xf32>,
    %lt3A = arith.constant 25 : i32
    %lt3A_5 = arith.cmpi slt, %add3A, %lt3A : i32
    %convert_element_type3A = arith.extui %lt3A_5 : i1 to i32
    %cond3A = arith.constant 0 : i32
    %cond3A_6 = arith.cmpi ne, %convert_element_type3A, %cond3A : i32
    scf.if %cond3A_6 {
      %mul3A_44 = arith.constant 2000 : i32
      %mul3A_45 = arith.muli %add3A, %mul3A_44 : i32
      %multiple_of3A_46 = tpu.assume_multiple %mul3A_45, 8 : i32
      "tpu.region"() ({
        %run_scoped3A = tpu.sem_alloc : memref<!tpu.dma_semaphore, #tpu.memory_space<semaphore_mem>>
        %dma_start3A_106 = arith.constant 0 : i32
        %dma_start3A_107 = tpu.memref_slice %arg13[%dma_start3A_106] : memref<25000xi32, #tpu.memory_space<vmem>> -> memref<2000xi32, #tpu.memory_space<vmem>>
        %dma_start3A_108 = tpu.memref_slice %arg6[%multiple_of3A_46] : memref<50000xi32, #tpu.memory_space<hbm>> -> memref<2000xi32, #tpu.memory_space<hbm>>
        %dma_start3A_109 = arith.constant 0 : i32
        %dma_start3A_110 = tpu.memref_slice %arg13[%dma_start3A_109] : memref<25000xi32, #tpu.memory_space<vmem>> -> memref<2000xi32, #tpu.memory_space<vmem>>
        %dma_start3A_111 = tpu.memref_slice %arg6[%multiple_of3A_46] : memref<50000xi32, #tpu.memory_space<hbm>> -> memref<2000xi32, #tpu.memory_space<hbm>>
        tpu.enqueue_dma source(%dma_start3A_111 : memref<2000xi32, #tpu.memory_space<hbm>>) target(%dma_start3A_110 : memref<2000xi32, #tpu.memory_space<vmem>>) target_semaphore(%run_scoped3A : memref<!tpu.dma_semaphore, #tpu.memory_space<semaphore_mem>>)
        %dma_wait3A_112 = arith.constant 0 : i32
        %dma_wait3A_113 = tpu.memref_slice %arg13[%dma_wait3A_112] : memref<25000xi32, #tpu.memory_space<vmem>> -> memref<2000xi32, #tpu.memory_space<vmem>>
        %dma_wait3A_114 = tpu.memref_slice %arg6[%multiple_of3A_46] : memref<50000xi32, #tpu.memory_space<hbm>> -> memref<2000xi32, #tpu.memory_space<hbm>>
        %dma_wait3A_115 = arith.constant 0 : i32
        %dma_wait3A_116 = tpu.memref_slice %arg13[%dma_wait3A_115] : memref<25000xi32, #tpu.memory_space<vmem>> -> memref<2000xi32, #tpu.memory_space<vmem>>
        %dma_wait3A_117 = tpu.memref_slice %arg6[%multiple_of3A_46] : memref<50000xi32, #tpu.memory_space<hbm>> -> memref<2000xi32, #tpu.memory_space<hbm>>
        tpu.wait_dma2 semaphore(%run_scoped3A : memref<!tpu.dma_semaphore, #tpu.memory_space<semaphore_mem>>) src(%dma_wait3A_117 : memref<2000xi32, #tpu.memory_space<hbm>>) dst(%dma_wait3A_116 : memref<2000xi32, #tpu.memory_space<vmem>>)
        tpu.yield
      }) : () -> ()
      %dma_start3A_47 = arith.constant 0 : i32
      %dma_start3A_48 = tpu.memref_slice %arg14[%dma_start3A_47] : memref<25000xf32, #tpu.memory_space<vmem>> -> memref<2000xf32, #tpu.memory_space<vmem>>
      %dma_start3A_49 = arith.constant 0 : i32
      %dma_start3A_50 = tpu.memref_slice %arg13[%dma_start3A_49] : memref<25000xi32, #tpu.memory_space<vmem>> -> memref<2000xi32, #tpu.memory_space<vmem>>
      %dma_start3A_51 = arith.constant 0 : i32
      %dma_start3A_52 = tpu.memref_slice %arg2[%dma_start3A_51] : memref<50000xf32, #tpu.memory_space<hbm>> -> memref<50000xf32, #tpu.memory_space<hbm>>
      tpu.enqueue_indirect_dma source(%dma_start3A_52 : memref<50000xf32, #tpu.memory_space<hbm>>) target(%dma_start3A_48 : memref<2000xf32, #tpu.memory_space<vmem>>) offsets(%dma_start3A_50 : memref<2000xi32, #tpu.memory_space<vmem>>) semaphore(%arg19 : memref<!tpu.dma_semaphore, #tpu.memory_space<semaphore_mem>>)
      %dma_start3A_53 = arith.constant 0 : i32
      %dma_start3A_54 = tpu.memref_slice %arg15[%dma_start3A_53] : memref<25000xf32, #tpu.memory_space<vmem>> -> memref<2000xf32, #tpu.memory_space<vmem>>
      %dma_start3A_55 = arith.constant 0 : i32
      %dma_start3A_56 = tpu.memref_slice %arg13[%dma_start3A_55] : memref<25000xi32, #tpu.memory_space<vmem>> -> memref<2000xi32, #tpu.memory_space<vmem>>
      %dma_start3A_57 = arith.constant 0 : i32
      %dma_start3A_58 = tpu.memref_slice %arg3[%dma_start3A_57] : memref<50000xf32, #tpu.memory_space<hbm>> -> memref<50000xf32, #tpu.memory_space<hbm>>
      tpu.enqueue_indirect_dma source(%dma_start3A_58 : memref<50000xf32, #tpu.memory_space<hbm>>) target(%dma_start3A_54 : memref<2000xf32, #tpu.memory_space<vmem>>) offsets(%dma_start3A_56 : memref<2000xi32, #tpu.memory_space<vmem>>) semaphore(%arg19 : memref<!tpu.dma_semaphore, #tpu.memory_space<semaphore_mem>>)
      %dma_start3A_59 = arith.constant 0 : i32
      %dma_start3A_60 = tpu.memref_slice %arg16[%dma_start3A_59] : memref<25000xf32, #tpu.memory_space<vmem>> -> memref<2000xf32, #tpu.memory_space<vmem>>
      %dma_start3A_61 = tpu.memref_slice %arg7[%multiple_of3A_46] : memref<50000xf32, #tpu.memory_space<hbm>> -> memref<2000xf32, #tpu.memory_space<hbm>>
      %dma_start3A_62 = arith.constant 0 : i32
      %dma_start3A_63 = tpu.memref_slice %arg16[%dma_start3A_62] : memref<25000xf32, #tpu.memory_space<vmem>> -> memref<2000xf32, #tpu.memory_space<vmem>>
      %dma_start3A_64 = tpu.memref_slice %arg7[%multiple_of3A_46] : memref<50000xf32, #tpu.memory_space<hbm>> -> memref<2000xf32, #tpu.memory_space<hbm>>
      tpu.enqueue_dma source(%dma_start3A_64 : memref<2000xf32, #tpu.memory_space<hbm>>) target(%dma_start3A_63 : memref<2000xf32, #tpu.memory_space<vmem>>) target_semaphore(%arg20 : memref<!tpu.dma_semaphore, #tpu.memory_space<semaphore_mem>>)
      %dma_start3A_65 = arith.constant 0 : i32
      %dma_start3A_66 = tpu.memref_slice %arg17[%dma_start3A_65] : memref<25000xf32, #tpu.memory_space<vmem>> -> memref<2000xf32, #tpu.memory_space<vmem>>
      %dma_start3A_67 = tpu.memref_slice %arg8[%multiple_of3A_46] : memref<50000xf32, #tpu.memory_space<hbm>> -> memref<2000xf32, #tpu.memory_space<hbm>>
      %dma_start3A_68 = arith.constant 0 : i32
      %dma_start3A_69 = tpu.memref_slice %arg17[%dma_start3A_68] : memref<25000xf32, #tpu.memory_space<vmem>> -> memref<2000xf32, #tpu.memory_space<vmem>>
      %dma_start3A_70 = tpu.memref_slice %arg8[%multiple_of3A_46] : memref<50000xf32, #tpu.memory_space<hbm>> -> memref<2000xf32, #tpu.memory_space<hbm>>
      tpu.enqueue_dma source(%dma_start3A_70 : memref<2000xf32, #tpu.memory_space<hbm>>) target(%dma_start3A_69 : memref<2000xf32, #tpu.memory_space<vmem>>) target_semaphore(%arg20 : memref<!tpu.dma_semaphore, #tpu.memory_space<semaphore_mem>>)
      %dma_wait3A_71 = arith.constant 0 : i32
      %dma_wait3A_72 = tpu.memref_slice %arg14[%dma_wait3A_71] : memref<25000xf32, #tpu.memory_space<vmem>> -> memref<2000xf32, #tpu.memory_space<vmem>>
      %dma_wait3A_73 = arith.constant 0 : i32
      %dma_wait3A_74 = tpu.memref_slice %arg13[%dma_wait3A_73] : memref<25000xi32, #tpu.memory_space<vmem>> -> memref<2000xi32, #tpu.memory_space<vmem>>
      %dma_wait3A_75 = arith.constant 0 : i32
      %dma_wait3A_76 = tpu.memref_slice %arg2[%dma_wait3A_75] : memref<50000xf32, #tpu.memory_space<hbm>> -> memref<50000xf32, #tpu.memory_space<hbm>>
      tpu.wait_indirect_dma semaphore(%arg19 : memref<!tpu.dma_semaphore, #tpu.memory_space<semaphore_mem>>) src(%dma_wait3A_76 : memref<50000xf32, #tpu.memory_space<hbm>>) dst(%dma_wait3A_72 : memref<2000xf32, #tpu.memory_space<vmem>>)
      %dma_wait3A_77 = arith.constant 0 : i32
      %dma_wait3A_78 = tpu.memref_slice %arg15[%dma_wait3A_77] : memref<25000xf32, #tpu.memory_space<vmem>> -> memref<2000xf32, #tpu.memory_space<vmem>>
      %dma_wait3A_79 = arith.constant 0 : i32
      %dma_wait3A_80 = tpu.memref_slice %arg13[%dma_wait3A_79] : memref<25000xi32, #tpu.memory_space<vmem>> -> memref<2000xi32, #tpu.memory_space<vmem>>
      %dma_wait3A_81 = arith.constant 0 : i32
      %dma_wait3A_82 = tpu.memref_slice %arg3[%dma_wait3A_81] : memref<50000xf32, #tpu.memory_space<hbm>> -> memref<50000xf32, #tpu.memory_space<hbm>>
      tpu.wait_indirect_dma semaphore(%arg19 : memref<!tpu.dma_semaphore, #tpu.memory_space<semaphore_mem>>) src(%dma_wait3A_82 : memref<50000xf32, #tpu.memory_space<hbm>>) dst(%dma_wait3A_78 : memref<2000xf32, #tpu.memory_space<vmem>>)
      %dma_wait3A_83 = arith.constant 0 : i32
      %dma_wait3A_84 = tpu.memref_slice %arg16[%dma_wait3A_83] : memref<25000xf32, #tpu.memory_space<vmem>> -> memref<2000xf32, #tpu.memory_space<vmem>>
      %dma_wait3A_85 = tpu.memref_slice %arg7[%multiple_of3A_46] : memref<50000xf32, #tpu.memory_space<hbm>> -> memref<2000xf32, #tpu.memory_space<hbm>>
      %dma_wait3A_86 = arith.constant 0 : i32
      %dma_wait3A_87 = tpu.memref_slice %arg16[%dma_wait3A_86] : memref<25000xf32, #tpu.memory_space<vmem>> -> memref<2000xf32, #tpu.memory_space<vmem>>
      %dma_wait3A_88 = tpu.memref_slice %arg7[%multiple_of3A_46] : memref<50000xf32, #tpu.memory_space<hbm>> -> memref<2000xf32, #tpu.memory_space<hbm>>
      tpu.wait_dma2 semaphore(%arg20 : memref<!tpu.dma_semaphore, #tpu.memory_space<semaphore_mem>>) src(%dma_wait3A_88 : memref<2000xf32, #tpu.memory_space<hbm>>) dst(%dma_wait3A_87 : memref<2000xf32, #tpu.memory_space<vmem>>)
      %dma_wait3A_89 = arith.constant 0 : i32
      %dma_wait3A_90 = tpu.memref_slice %arg17[%dma_wait3A_89] : memref<25000xf32, #tpu.memory_space<vmem>> -> memref<2000xf32, #tpu.memory_space<vmem>>
      %dma_wait3A_91 = tpu.memref_slice %arg8[%multiple_of3A_46] : memref<50000xf32, #tpu.memory_space<hbm>> -> memref<2000xf32, #tpu.memory_space<hbm>>
      %dma_wait3A_92 = arith.constant 0 : i32
      %dma_wait3A_93 = tpu.memref_slice %arg17[%dma_wait3A_92] : memref<25000xf32, #tpu.memory_space<vmem>> -> memref<2000xf32, #tpu.memory_space<vmem>>
      %dma_wait3A_94 = tpu.memref_slice %arg8[%multiple_of3A_46] : memref<50000xf32, #tpu.memory_space<hbm>> -> memref<2000xf32, #tpu.memory_space<hbm>>
      tpu.wait_dma2 semaphore(%arg20 : memref<!tpu.dma_semaphore, #tpu.memory_space<semaphore_mem>>) src(%dma_wait3A_94 : memref<2000xf32, #tpu.memory_space<hbm>>) dst(%dma_wait3A_93 : memref<2000xf32, #tpu.memory_space<vmem>>)
      %broadcast_in_dim3A_95 = arith.constant 0.000000e+00 : f32
      %broadcast_in_dim3A_96 = vector.broadcast %broadcast_in_dim3A_95 : f32 to vector<16xf32>
      %scan3A = arith.constant 0 : i32
      %scan3A_97 = arith.constant 125 : i32
      %scan3A_98 = arith.addi %scan3A, %scan3A_97 : i32
      %scan3A_99 = arith.constant 1 : i32
      %scan3A_100 = scf.for %scan3A_106 = %scan3A to %scan3A_98 step %scan3A_99 iter_args(%scan3A_107 = %broadcast_in_dim3A_96) -> (vector<16xf32>)  : i32 {
        %mul3A_108 = arith.constant 16 : i32
        %mul3A_109 = arith.muli %scan3A_106, %mul3A_108 : i32
        %get3A = arith.index_cast %mul3A_109 : i32 to index
        %get3A_110 = tpu.vector_load %arg14[%get3A] {strides = array<i32>} : memref<25000xf32, #tpu.memory_space<vmem>>, vector<16xf32>,
        %get3A_111 = vector.shape_cast %get3A_110 : vector<16xf32> to vector<16xf32>
        %get3A_112 = arith.index_cast %mul3A_109 : i32 to index
        %get3A_113 = tpu.vector_load %arg15[%get3A_112] {strides = array<i32>} : memref<25000xf32, #tpu.memory_space<vmem>>, vector<16xf32>,
        %get3A_114 = vector.shape_cast %get3A_113 : vector<16xf32> to vector<16xf32>
        %get3A_115 = arith.index_cast %mul3A_109 : i32 to index
        %get3A_116 = tpu.vector_load %arg16[%get3A_115] {strides = array<i32>} : memref<25000xf32, #tpu.memory_space<vmem>>, vector<16xf32>,
        %get3A_117 = vector.shape_cast %get3A_116 : vector<16xf32> to vector<16xf32>
        %get3A_118 = arith.index_cast %mul3A_109 : i32 to index
        %get3A_119 = tpu.vector_load %arg17[%get3A_118] {strides = array<i32>} : memref<25000xf32, #tpu.memory_space<vmem>>, vector<16xf32>,
        %get3A_120 = vector.shape_cast %get3A_119 : vector<16xf32> to vector<16xf32>
        %add3A_121 = arith.constant 1.000000e+00 : f32
        %add3A_122 = vector.broadcast %add3A_121 : f32 to vector<16xf32>
        %add3A_123 = arith.addf %get3A_114, %add3A_122 : vector<16xf32>
        %add3A_124 = arith.constant 2.000000e+00 : f32
        %add3A_125 = vector.broadcast %add3A_124 : f32 to vector<16xf32>
        %add3A_126 = arith.addf %get3A_114, %add3A_125 : vector<16xf32>
        %div3A = arith.divf %get3A_114, %add3A_126 : vector<16xf32>
        %mul3A_127 = arith.mulf %div3A, %div3A : vector<16xf32>
        %mul3A_128 = arith.constant 0.222222224 : f32
        %mul3A_129 = vector.broadcast %mul3A_128 : f32 to vector<16xf32>
        %mul3A_130 = arith.mulf %mul3A_127, %mul3A_129 : vector<16xf32>
        %add3A_131 = arith.constant 0.285714298 : f32
        %add3A_132 = vector.broadcast %add3A_131 : f32 to vector<16xf32>
        %add3A_133 = arith.addf %add3A_132, %mul3A_130 : vector<16xf32>
        %mul3A_134 = arith.mulf %mul3A_127, %add3A_133 : vector<16xf32>
        %add3A_135 = arith.constant 4.000000e-01 : f32
        %add3A_136 = vector.broadcast %add3A_135 : f32 to vector<16xf32>
        %add3A_137 = arith.addf %add3A_136, %mul3A_134 : vector<16xf32>
        %mul3A_138 = arith.mulf %mul3A_127, %add3A_137 : vector<16xf32>
        %add3A_139 = arith.constant 0.666666686 : f32
        %add3A_140 = vector.broadcast %add3A_139 : f32 to vector<16xf32>
        %add3A_141 = arith.addf %add3A_140, %mul3A_138 : vector<16xf32>
        %mul3A_142 = arith.mulf %mul3A_127, %add3A_141 : vector<16xf32>
        %add3A_143 = arith.constant 2.000000e+00 : f32
        %add3A_144 = vector.broadcast %add3A_143 : f32 to vector<16xf32>
        %add3A_145 = arith.addf %add3A_144, %mul3A_142 : vector<16xf32>
        %mul3A_146 = arith.mulf %div3A, %add3A_145 : vector<16xf32>
        %sub3A = arith.subf %get3A_117, %get3A_111 : vector<16xf32>
        %mul3A_147 = arith.constant 5.000000e-01 : f32
        %mul3A_148 = vector.broadcast %mul3A_147 : f32 to vector<16xf32>
        %mul3A_149 = arith.mulf %mul3A_148, %mul3A_146 : vector<16xf32>
        %mul3A_150 = arith.mulf %sub3A, %sub3A : vector<16xf32>
        %div3A_151 = arith.divf %mul3A_150, %add3A_123 : vector<16xf32>
        %add3A_152 = arith.addf %mul3A_149, %div3A_151 : vector<16xf32>
        %mul3A_153 = arith.mulf %add3A_152, %get3A_120 : vector<16xf32>
        %add3A_154 = arith.addf %scan3A_107, %mul3A_153 : vector<16xf32>
        scf.yield %add3A_154 : vector<16xf32>
      }
      %scan3A_101 = arith.constant 125 : i32
      %swap3A_102 = arith.constant 0 : index
      %swap3A_103 = tpu.vector_load %arg18[%swap3A_102] {strides = array<i32>} : memref<16xf32, #tpu.memory_space<vmem>>, vector<16xf32>,
      %swap3A_104 = vector.shape_cast %swap3A_103 : vector<16xf32> to vector<16xf32>
      %swap3A_105 = vector.shape_cast %scan3A_100 : vector<16xf32> to vector<16xf32>
      tpu.vector_store %arg18[%swap3A_102], %swap3A_105 {strides = array<i32>} : memref<16xf32, #tpu.memory_space<vmem>>, vector<16xf32>,
    } else {
    }
    "tpu.region"() ({
      %run_scoped3A = tpu.sem_alloc : memref<!tpu.dma_semaphore, #tpu.memory_space<semaphore_mem>>
      %dma_start3A_44 = arith.constant 0 : i32
      %dma_start3A_45 = tpu.memref_slice %arg10[%add3A, %dma_start3A_44] : memref<32x16xf32, #tpu.memory_space<hbm>> -> memref<1x16xf32, #tpu.memory_space<hbm>>
      %dma_start3A_46 = tpu.memref_squeeze %dma_start3A_45 : memref<1x16xf32, #tpu.memory_space<hbm>> -> memref<16xf32, #tpu.memory_space<hbm>>
      %dma_start3A_47 = arith.constant 0 : i32
      %dma_start3A_48 = tpu.memref_slice %arg10[%add3A, %dma_start3A_47] : memref<32x16xf32, #tpu.memory_space<hbm>> -> memref<1x16xf32, #tpu.memory_space<hbm>>
      %dma_start3A_49 = tpu.memref_squeeze %dma_start3A_48 : memref<1x16xf32, #tpu.memory_space<hbm>> -> memref<16xf32, #tpu.memory_space<hbm>>
      tpu.enqueue_dma source(%arg18 : memref<16xf32, #tpu.memory_space<vmem>>) target(%dma_start3A_49 : memref<16xf32, #tpu.memory_space<hbm>>) target_semaphore(%run_scoped3A : memref<!tpu.dma_semaphore, #tpu.memory_space<semaphore_mem>>)
      %dma_wait3A_50 = arith.constant 0 : i32
      %dma_wait3A_51 = tpu.memref_slice %arg10[%add3A, %dma_wait3A_50] : memref<32x16xf32, #tpu.memory_space<hbm>> -> memref<1x16xf32, #tpu.memory_space<hbm>>
      %dma_wait3A_52 = tpu.memref_squeeze %dma_wait3A_51 : memref<1x16xf32, #tpu.memory_space<hbm>> -> memref<16xf32, #tpu.memory_space<hbm>>
      %dma_wait3A_53 = arith.constant 0 : i32
      %dma_wait3A_54 = tpu.memref_slice %arg10[%add3A, %dma_wait3A_53] : memref<32x16xf32, #tpu.memory_space<hbm>> -> memref<1x16xf32, #tpu.memory_space<hbm>>
      %dma_wait3A_55 = tpu.memref_squeeze %dma_wait3A_54 : memref<1x16xf32, #tpu.memory_space<hbm>> -> memref<16xf32, #tpu.memory_space<hbm>>
      tpu.wait_dma2 semaphore(%run_scoped3A : memref<!tpu.dma_semaphore, #tpu.memory_space<semaphore_mem>>) src(%arg18 : memref<16xf32, #tpu.memory_space<vmem>>) dst(%dma_wait3A_55 : memref<16xf32, #tpu.memory_space<hbm>>)
      tpu.yield
    }) : () -> ()
    %mul3A_7 = arith.constant 50000 : i32
    %mul3A_8 = arith.muli %add3A, %mul3A_7 : i32
    %multiple_of3A = tpu.assume_multiple %mul3A_8, 8 : i32
    %mul3A_9 = arith.constant 50000 : i32
    %mul3A_10 = arith.muli %add3A, %mul3A_9 : i32
    %add3A_11 = arith.constant 25000 : i32
    %add3A_12 = arith.addi %mul3A_10, %add3A_11 : i32
    %multiple_of3A_13 = tpu.assume_multiple %add3A_12, 8 : i32
    "tpu.region"() ({
      %run_scoped3A = tpu.sem_alloc : memref<!tpu.dma_semaphore, #tpu.memory_space<semaphore_mem>>
      %dma_start3A_44 = tpu.memref_slice %arg9[%multiple_of3A] : memref<1600000xi32, #tpu.memory_space<hbm>> -> memref<25000xi32, #tpu.memory_space<hbm>>
      %dma_start3A_45 = tpu.memref_slice %arg9[%multiple_of3A] : memref<1600000xi32, #tpu.memory_space<hbm>> -> memref<25000xi32, #tpu.memory_space<hbm>>
      tpu.enqueue_dma source(%dma_start3A_45 : memref<25000xi32, #tpu.memory_space<hbm>>) target(%arg13 : memref<25000xi32, #tpu.memory_space<vmem>>) target_semaphore(%run_scoped3A : memref<!tpu.dma_semaphore, #tpu.memory_space<semaphore_mem>>)
      %dma_wait3A_46 = tpu.memref_slice %arg9[%multiple_of3A] : memref<1600000xi32, #tpu.memory_space<hbm>> -> memref<25000xi32, #tpu.memory_space<hbm>>
      %dma_wait3A_47 = tpu.memref_slice %arg9[%multiple_of3A] : memref<1600000xi32, #tpu.memory_space<hbm>> -> memref<25000xi32, #tpu.memory_space<hbm>>
      tpu.wait_dma2 semaphore(%run_scoped3A : memref<!tpu.dma_semaphore, #tpu.memory_space<semaphore_mem>>) src(%dma_wait3A_47 : memref<25000xi32, #tpu.memory_space<hbm>>) dst(%arg13 : memref<25000xi32, #tpu.memory_space<vmem>>)
      tpu.yield
    }) : () -> ()
    %dma_start3A = arith.constant 0 : i32
    %dma_start3A_14 = tpu.memref_slice %arg4[%dma_start3A] : memref<1600000xf32, #tpu.memory_space<hbm>> -> memref<1600000xf32, #tpu.memory_space<hbm>>
    tpu.enqueue_indirect_dma source(%dma_start3A_14 : memref<1600000xf32, #tpu.memory_space<hbm>>) target(%arg14 : memref<25000xf32, #tpu.memory_space<vmem>>) offsets(%arg13 : memref<25000xi32, #tpu.memory_space<vmem>>) semaphore(%arg19 : memref<!tpu.dma_semaphore, #tpu.memory_space<semaphore_mem>>)
    %dma_start3A_15 = arith.constant 0 : i32
    %dma_start3A_16 = tpu.memref_slice %arg5[%dma_start3A_15] : memref<1600000xf32, #tpu.memory_space<hbm>> -> memref<1600000xf32, #tpu.memory_space<hbm>>
    tpu.enqueue_indirect_dma source(%dma_start3A_16 : memref<1600000xf32, #tpu.memory_space<hbm>>) target(%arg15 : memref<25000xf32, #tpu.memory_space<vmem>>) offsets(%arg13 : memref<25000xi32, #tpu.memory_space<vmem>>) semaphore(%arg19 : memref<!tpu.dma_semaphore, #tpu.memory_space<semaphore_mem>>)
    %dma_wait3A = arith.constant 0 : i32
    %dma_wait3A_17 = tpu.memref_slice %arg4[%dma_wait3A] : memref<1600000xf32, #tpu.memory_space<hbm>> -> memref<1600000xf32, #tpu.memory_space<hbm>>
    tpu.wait_indirect_dma semaphore(%arg19 : memref<!tpu.dma_semaphore, #tpu.memory_space<semaphore_mem>>) src(%dma_wait3A_17 : memref<1600000xf32, #tpu.memory_space<hbm>>) dst(%arg14 : memref<25000xf32, #tpu.memory_space<vmem>>)
    %dma_wait3A_18 = arith.constant 0 : i32
    %dma_wait3A_19 = tpu.memref_slice %arg5[%dma_wait3A_18] : memref<1600000xf32, #tpu.memory_space<hbm>> -> memref<1600000xf32, #tpu.memory_space<hbm>>
    tpu.wait_indirect_dma semaphore(%arg19 : memref<!tpu.dma_semaphore, #tpu.memory_space<semaphore_mem>>) src(%dma_wait3A_19 : memref<1600000xf32, #tpu.memory_space<hbm>>) dst(%arg15 : memref<25000xf32, #tpu.memory_space<vmem>>)
    %dma_start3A_20 = tpu.memref_slice %arg11[%multiple_of3A] : memref<1600000xf32, #tpu.memory_space<hbm>> -> memref<25000xf32, #tpu.memory_space<hbm>>
    %dma_start3A_21 = tpu.memref_slice %arg11[%multiple_of3A] : memref<1600000xf32, #tpu.memory_space<hbm>> -> memref<25000xf32, #tpu.memory_space<hbm>>
    tpu.enqueue_dma source(%arg14 : memref<25000xf32, #tpu.memory_space<vmem>>) target(%dma_start3A_21 : memref<25000xf32, #tpu.memory_space<hbm>>) target_semaphore(%arg20 : memref<!tpu.dma_semaphore, #tpu.memory_space<semaphore_mem>>)
    %dma_start3A_22 = tpu.memref_slice %arg12[%multiple_of3A] : memref<1600000xf32, #tpu.memory_space<hbm>> -> memref<25000xf32, #tpu.memory_space<hbm>>
    %dma_start3A_23 = tpu.memref_slice %arg12[%multiple_of3A] : memref<1600000xf32, #tpu.memory_space<hbm>> -> memref<25000xf32, #tpu.memory_space<hbm>>
    tpu.enqueue_dma source(%arg15 : memref<25000xf32, #tpu.memory_space<vmem>>) target(%dma_start3A_23 : memref<25000xf32, #tpu.memory_space<hbm>>) target_semaphore(%arg20 : memref<!tpu.dma_semaphore, #tpu.memory_space<semaphore_mem>>)
    "tpu.region"() ({
      %run_scoped3A = tpu.sem_alloc : memref<!tpu.dma_semaphore, #tpu.memory_space<semaphore_mem>>
      %dma_start3A_44 = tpu.memref_slice %arg9[%multiple_of3A_13] : memref<1600000xi32, #tpu.memory_space<hbm>> -> memref<25000xi32, #tpu.memory_space<hbm>>
      %dma_start3A_45 = tpu.memref_slice %arg9[%multiple_of3A_13] : memref<1600000xi32, #tpu.memory_space<hbm>> -> memref<25000xi32, #tpu.memory_space<hbm>>
      tpu.enqueue_dma source(%dma_start3A_45 : memref<25000xi32, #tpu.memory_space<hbm>>) target(%arg13 : memref<25000xi32, #tpu.memory_space<vmem>>) target_semaphore(%run_scoped3A : memref<!tpu.dma_semaphore, #tpu.memory_space<semaphore_mem>>)
      %dma_wait3A_46 = tpu.memref_slice %arg9[%multiple_of3A_13] : memref<1600000xi32, #tpu.memory_space<hbm>> -> memref<25000xi32, #tpu.memory_space<hbm>>
      %dma_wait3A_47 = tpu.memref_slice %arg9[%multiple_of3A_13] : memref<1600000xi32, #tpu.memory_space<hbm>> -> memref<25000xi32, #tpu.memory_space<hbm>>
      tpu.wait_dma2 semaphore(%run_scoped3A : memref<!tpu.dma_semaphore, #tpu.memory_space<semaphore_mem>>) src(%dma_wait3A_47 : memref<25000xi32, #tpu.memory_space<hbm>>) dst(%arg13 : memref<25000xi32, #tpu.memory_space<vmem>>)
      tpu.yield
    }) : () -> ()
    %dma_start3A_24 = arith.constant 0 : i32
    %dma_start3A_25 = tpu.memref_slice %arg4[%dma_start3A_24] : memref<1600000xf32, #tpu.memory_space<hbm>> -> memref<1600000xf32, #tpu.memory_space<hbm>>
    tpu.enqueue_indirect_dma source(%dma_start3A_25 : memref<1600000xf32, #tpu.memory_space<hbm>>) target(%arg16 : memref<25000xf32, #tpu.memory_space<vmem>>) offsets(%arg13 : memref<25000xi32, #tpu.memory_space<vmem>>) semaphore(%arg19 : memref<!tpu.dma_semaphore, #tpu.memory_space<semaphore_mem>>)
    %dma_start3A_26 = arith.constant 0 : i32
    %dma_start3A_27 = tpu.memref_slice %arg5[%dma_start3A_26] : memref<1600000xf32, #tpu.memory_space<hbm>> -> memref<1600000xf32, #tpu.memory_space<hbm>>
    tpu.enqueue_indirect_dma source(%dma_start3A_27 : memref<1600000xf32, #tpu.memory_space<hbm>>) target(%arg17 : memref<25000xf32, #tpu.memory_space<vmem>>) offsets(%arg13 : memref<25000xi32, #tpu.memory_space<vmem>>) semaphore(%arg19 : memref<!tpu.dma_semaphore, #tpu.memory_space<semaphore_mem>>)
    %dma_wait3A_28 = arith.constant 0 : i32
    %dma_wait3A_29 = tpu.memref_slice %arg4[%dma_wait3A_28] : memref<1600000xf32, #tpu.memory_space<hbm>> -> memref<1600000xf32, #tpu.memory_space<hbm>>
    tpu.wait_indirect_dma semaphore(%arg19 : memref<!tpu.dma_semaphore, #tpu.memory_space<semaphore_mem>>) src(%dma_wait3A_29 : memref<1600000xf32, #tpu.memory_space<hbm>>) dst(%arg16 : memref<25000xf32, #tpu.memory_space<vmem>>)
    %dma_wait3A_30 = arith.constant 0 : i32
    %dma_wait3A_31 = tpu.memref_slice %arg5[%dma_wait3A_30] : memref<1600000xf32, #tpu.memory_space<hbm>> -> memref<1600000xf32, #tpu.memory_space<hbm>>
    tpu.wait_indirect_dma semaphore(%arg19 : memref<!tpu.dma_semaphore, #tpu.memory_space<semaphore_mem>>) src(%dma_wait3A_31 : memref<1600000xf32, #tpu.memory_space<hbm>>) dst(%arg17 : memref<25000xf32, #tpu.memory_space<vmem>>)
    %dma_start3A_32 = tpu.memref_slice %arg11[%multiple_of3A_13] : memref<1600000xf32, #tpu.memory_space<hbm>> -> memref<25000xf32, #tpu.memory_space<hbm>>
    %dma_start3A_33 = tpu.memref_slice %arg11[%multiple_of3A_13] : memref<1600000xf32, #tpu.memory_space<hbm>> -> memref<25000xf32, #tpu.memory_space<hbm>>
    tpu.enqueue_dma source(%arg16 : memref<25000xf32, #tpu.memory_space<vmem>>) target(%dma_start3A_33 : memref<25000xf32, #tpu.memory_space<hbm>>) target_semaphore(%arg20 : memref<!tpu.dma_semaphore, #tpu.memory_space<semaphore_mem>>)
    %dma_start3A_34 = tpu.memref_slice %arg12[%multiple_of3A_13] : memref<1600000xf32, #tpu.memory_space<hbm>> -> memref<25000xf32, #tpu.memory_space<hbm>>
    %dma_start3A_35 = tpu.memref_slice %arg12[%multiple_of3A_13] : memref<1600000xf32, #tpu.memory_space<hbm>> -> memref<25000xf32, #tpu.memory_space<hbm>>
    tpu.enqueue_dma source(%arg17 : memref<25000xf32, #tpu.memory_space<vmem>>) target(%dma_start3A_35 : memref<25000xf32, #tpu.memory_space<hbm>>) target_semaphore(%arg20 : memref<!tpu.dma_semaphore, #tpu.memory_space<semaphore_mem>>)
    %dma_wait3A_36 = tpu.memref_slice %arg11[%multiple_of3A] : memref<1600000xf32, #tpu.memory_space<hbm>> -> memref<25000xf32, #tpu.memory_space<hbm>>
    %dma_wait3A_37 = tpu.memref_slice %arg11[%multiple_of3A] : memref<1600000xf32, #tpu.memory_space<hbm>> -> memref<25000xf32, #tpu.memory_space<hbm>>
    tpu.wait_dma2 semaphore(%arg20 : memref<!tpu.dma_semaphore, #tpu.memory_space<semaphore_mem>>) src(%arg14 : memref<25000xf32, #tpu.memory_space<vmem>>) dst(%dma_wait3A_37 : memref<25000xf32, #tpu.memory_space<hbm>>)
    %dma_wait3A_38 = tpu.memref_slice %arg12[%multiple_of3A] : memref<1600000xf32, #tpu.memory_space<hbm>> -> memref<25000xf32, #tpu.memory_space<hbm>>
    %dma_wait3A_39 = tpu.memref_slice %arg12[%multiple_of3A] : memref<1600000xf32, #tpu.memory_space<hbm>> -> memref<25000xf32, #tpu.memory_space<hbm>>
    tpu.wait_dma2 semaphore(%arg20 : memref<!tpu.dma_semaphore, #tpu.memory_space<semaphore_mem>>) src(%arg15 : memref<25000xf32, #tpu.memory_space<vmem>>) dst(%dma_wait3A_39 : memref<25000xf32, #tpu.memory_space<hbm>>)
    %dma_wait3A_40 = tpu.memref_slice %arg11[%multiple_of3A_13] : memref<1600000xf32, #tpu.memory_space<hbm>> -> memref<25000xf32, #tpu.memory_space<hbm>>
    %dma_wait3A_41 = tpu.memref_slice %arg11[%multiple_of3A_13] : memref<1600000xf32, #tpu.memory_space<hbm>> -> memref<25000xf32, #tpu.memory_space<hbm>>
    tpu.wait_dma2 semaphore(%arg20 : memref<!tpu.dma_semaphore, #tpu.memory_space<semaphore_mem>>) src(%arg16 : memref<25000xf32, #tpu.memory_space<vmem>>) dst(%dma_wait3A_41 : memref<25000xf32, #tpu.memory_space<hbm>>)
    %dma_wait3A_42 = tpu.memref_slice %arg12[%multiple_of3A_13] : memref<1600000xf32, #tpu.memory_space<hbm>> -> memref<25000xf32, #tpu.memory_space<hbm>>
    %dma_wait3A_43 = tpu.memref_slice %arg12[%multiple_of3A_13] : memref<1600000xf32, #tpu.memory_space<hbm>> -> memref<25000xf32, #tpu.memory_space<hbm>>
    tpu.wait_dma2 semaphore(%arg20 : memref<!tpu.dma_semaphore, #tpu.memory_space<semaphore_mem>>) src(%arg17 : memref<25000xf32, #tpu.memory_space<vmem>>) dst(%dma_wait3A_43 : memref<25000xf32, #tpu.memory_space<hbm>>)
    return
  }
}

module attributes {stable_mosaic.version = 14 : i64} {
  func.func @_nll_tc_body(%arg0: i32, %arg1: memref<32x16xf32, #tpu.memory_space<vmem>>, %arg2: memref<2048x128xf32, #tpu.memory_space<vmem>>, %arg3: memref<2048x128xf32, #tpu.memory_space<vmem>>, %arg4: memref<2048x128xf32, #tpu.memory_space<vmem>>, %arg5: memref<2048x128xf32, #tpu.memory_space<vmem>>, %arg6: memref<1x1xf32, #tpu.memory_space<smem>>, %arg7: memref<1x1xf32, #tpu.memory_space<smem>>, %arg8: memref<1x1xf32, #tpu.memory_space<smem>>, %arg9: memref<1xf32, #tpu.memory_space<smem>>) attributes {dimension_semantics = [#tpu.dimension_semantics<arbitrary>], iteration_bounds = array<i64: 7>, scalar_prefetch = 0 : i64, scratch_operands = 1 : i64, tpu.core_type = #tpu.core_type<tc>, window_params = [{pipeline_mode = #tpu.pipeline_mode<synchronous>, transform_indices = @transform_0, window_bounds = array<i64: 32, 16>}, {transform_indices = @transform_1, window_bounds = array<i64: 2048, 128>}, {transform_indices = @transform_2, window_bounds = array<i64: 2048, 128>}, {transform_indices = @transform_3, window_bounds = array<i64: 2048, 128>}, {transform_indices = @transform_4, window_bounds = array<i64: 2048, 128>}, {transform_indices = @transform_5, window_bounds = array<i64: 1, 1>}, {transform_indices = @transform_6, window_bounds = array<i64: 1, 1>}, {transform_indices = @transform_7, window_bounds = array<i64: 1, 1>}]} {
    %eq3A = arith.constant 0 : i32
    %eq3A_0 = arith.cmpi eq, %arg0, %eq3A : i32
    %convert_element_type3A = arith.extui %eq3A_0 : i1 to i32
    %cond3A = arith.constant 0 : i32
    %cond3A_1 = arith.cmpi ne, %convert_element_type3A, %cond3A : i32
    scf.if %cond3A_1 {
      %swap3A = arith.constant 0.000000e+00 : f32
      %swap3A_29 = arith.constant 0 : index
      %swap3A_30 = memref.load %arg9[%swap3A_29] : memref<1xf32, #tpu.memory_space<smem>>
      memref.store %swap3A, %arg9[%swap3A_29] : memref<1xf32, #tpu.memory_space<smem>>
    } else {
    }
    %get3A = arith.constant 0 : index
    %get3A_2 = arith.constant 0 : index
    %get3A_3 = vector.load %arg3[%get3A, %get3A_2] : memref<2048x128xf32, #tpu.memory_space<vmem>>, vector<2048x128xf32>
    %add3A = arith.constant 1.000000e+00 : f32
    %add3A_4 = vector.broadcast %add3A : f32 to vector<2048x128xf32>
    %add3A_5 = arith.addf %get3A_3, %add3A_4 : vector<2048x128xf32>
    %get3A_6 = arith.constant 0 : index
    %get3A_7 = arith.constant 0 : index
    %get3A_8 = vector.load %arg4[%get3A_6, %get3A_7] : memref<2048x128xf32, #tpu.memory_space<vmem>>, vector<2048x128xf32>
    %get3A_9 = arith.constant 0 : index
    %get3A_10 = arith.constant 0 : index
    %get3A_11 = vector.load %arg2[%get3A_9, %get3A_10] : memref<2048x128xf32, #tpu.memory_space<vmem>>, vector<2048x128xf32>
    %sub3A = arith.subf %get3A_8, %get3A_11 : vector<2048x128xf32>
    %log3A = math.log %add3A_5 : vector<2048x128xf32>
    %mul3A = arith.constant 5.000000e-01 : f32
    %mul3A_12 = vector.broadcast %mul3A : f32 to vector<2048x128xf32>
    %mul3A_13 = arith.mulf %mul3A_12, %log3A : vector<2048x128xf32>
    %mul3A_14 = arith.mulf %sub3A, %sub3A : vector<2048x128xf32>
    %div3A = arith.divf %mul3A_14, %add3A_5 : vector<2048x128xf32>
    %add3A_15 = arith.addf %mul3A_13, %div3A : vector<2048x128xf32>
    %get3A_16 = arith.constant 0 : index
    %get3A_17 = arith.constant 0 : index
    %get3A_18 = vector.load %arg5[%get3A_16, %get3A_17] : memref<2048x128xf32, #tpu.memory_space<vmem>>, vector<2048x128xf32>
    %mul3A_19 = arith.mulf %add3A_15, %get3A_18 : vector<2048x128xf32>
    %lt3A = arith.constant 6 : i32
    %lt3A_20 = arith.cmpi slt, %arg0, %lt3A : i32
    %convert_element_type3A_21 = arith.extui %lt3A_20 : i1 to i32
    %cond3A_22 = arith.constant 0 : i32
    %cond3A_23 = arith.cmpi ne, %convert_element_type3A_21, %cond3A_22 : i32
    scf.if %cond3A_23 {
      %get3A_29 = arith.constant 0 : index
      %get3A_30 = memref.load %arg9[%get3A_29] : memref<1xf32, #tpu.memory_space<smem>>
      %reduce_sum3A = vector.shape_cast %mul3A_19 : vector<2048x128xf32> to vector<1x2048x128xf32>
      %reduce_sum3A_31 = arith.constant dense<0.000000e+00> : vector<1xf32>
      %reduce_sum3A_32 = vector.multi_reduction <add>, %reduce_sum3A, %reduce_sum3A_31 [1, 2] : vector<1x2048x128xf32> to vector<1xf32>
      %reduce_sum3A_33 = vector.shape_cast %reduce_sum3A_32 : vector<1xf32> to vector<1x1x1xf32>
      %reduce_sum3A_34 = vector.extract %reduce_sum3A_33[0, 0, 0] : f32 from vector<1x1x1xf32>
      %add3A_35 = arith.addf %get3A_30, %reduce_sum3A_34 : f32
      %swap3A = arith.constant 0 : index
      %swap3A_36 = memref.load %arg9[%swap3A] : memref<1xf32, #tpu.memory_space<smem>>
      memref.store %add3A_35, %arg9[%swap3A] : memref<1xf32, #tpu.memory_space<smem>>
    } else {
    }
    %eq3A_24 = arith.constant 6 : i32
    %eq3A_25 = arith.cmpi eq, %arg0, %eq3A_24 : i32
    %convert_element_type3A_26 = arith.extui %eq3A_25 : i1 to i32
    %cond3A_27 = arith.constant 0 : i32
    %cond3A_28 = arith.cmpi ne, %convert_element_type3A_26, %cond3A_27 : i32
    scf.if %cond3A_28 {
      %iota3A = tpu.iota {dimensions = array<i32: 0>} : vector<2048x128xi32>
      %get3A_29 = arith.constant 0 : index
      %get3A_30 = memref.load %arg9[%get3A_29] : memref<1xf32, #tpu.memory_space<smem>>
      %lt3A_31 = arith.constant 212 : i32
      %lt3A_32 = vector.broadcast %lt3A_31 : i32 to vector<2048x128xi32>
      %lt3A_33 = arith.cmpi slt, %iota3A, %lt3A_32 : vector<2048x128xi32>
      %jit3A = arith.constant 0.000000e+00 : f32
      %broadcast_in_dim3A = vector.broadcast %jit3A : f32 to vector<2048x128xf32>
      %select_n3A = arith.select %lt3A_33, %mul3A_19, %broadcast_in_dim3A : vector<2048x128xi1>, vector<2048x128xf32>
      %reduce_sum3A = vector.shape_cast %select_n3A : vector<2048x128xf32> to vector<1x2048x128xf32>
      %reduce_sum3A_34 = arith.constant dense<0.000000e+00> : vector<1xf32>
      %reduce_sum3A_35 = vector.multi_reduction <add>, %reduce_sum3A, %reduce_sum3A_34 [1, 2] : vector<1x2048x128xf32> to vector<1xf32>
      %reduce_sum3A_36 = vector.shape_cast %reduce_sum3A_35 : vector<1xf32> to vector<1x1x1xf32>
      %reduce_sum3A_37 = vector.extract %reduce_sum3A_36[0, 0, 0] : f32 from vector<1x1x1xf32>
      %add3A_38 = arith.addf %get3A_30, %reduce_sum3A_37 : f32
      %swap3A = arith.constant 0 : index
      %swap3A_39 = memref.load %arg9[%swap3A] : memref<1xf32, #tpu.memory_space<smem>>
      memref.store %add3A_38, %arg9[%swap3A] : memref<1xf32, #tpu.memory_space<smem>>
      %get3A_40 = arith.constant 0 : index
      %get3A_41 = memref.load %arg9[%get3A_40] : memref<1xf32, #tpu.memory_space<smem>>
      %mul3A_42 = arith.constant 6.250000e-07 : f32
      %mul3A_43 = arith.mulf %get3A_41, %mul3A_42 : f32
      %get3A_44 = arith.constant 0 : index
      %get3A_45 = arith.constant 0 : index
      %get3A_46 = vector.load %arg1[%get3A_44, %get3A_45] : memref<32x16xf32, #tpu.memory_space<vmem>>, vector<32x16xf32>
      %reduce_sum3A_47 = vector.shape_cast %get3A_46 : vector<32x16xf32> to vector<1x32x16xf32>
      %reduce_sum3A_48 = arith.constant dense<0.000000e+00> : vector<1xf32>
      %reduce_sum3A_49 = vector.multi_reduction <add>, %reduce_sum3A_47, %reduce_sum3A_48 [1, 2] : vector<1x32x16xf32> to vector<1xf32>
      %reduce_sum3A_50 = vector.shape_cast %reduce_sum3A_49 : vector<1xf32> to vector<1x1x1xf32>
      %reduce_sum3A_51 = vector.extract %reduce_sum3A_50[0, 0, 0] : f32 from vector<1x1x1xf32>
      %mul3A_52 = arith.constant 2.000000e-05 : f32
      %mul3A_53 = arith.mulf %reduce_sum3A_51, %mul3A_52 : f32
      %swap3A_54 = arith.constant 0 : index
      %swap3A_55 = arith.constant 0 : index
      %swap3A_56 = memref.load %arg6[%swap3A_54, %swap3A_55] : memref<1x1xf32, #tpu.memory_space<smem>>
      memref.store %mul3A_53, %arg6[%swap3A_54, %swap3A_55] : memref<1x1xf32, #tpu.memory_space<smem>>
      %swap3A_57 = arith.constant 0 : index
      %swap3A_58 = arith.constant 0 : index
      %swap3A_59 = memref.load %arg7[%swap3A_57, %swap3A_58] : memref<1x1xf32, #tpu.memory_space<smem>>
      memref.store %mul3A_43, %arg7[%swap3A_57, %swap3A_58] : memref<1x1xf32, #tpu.memory_space<smem>>
      %mul3A_60 = arith.constant 5.000000e-01 : f32
      %mul3A_61 = arith.mulf %mul3A_53, %mul3A_60 : f32
      %mul3A_62 = arith.constant 5.000000e-01 : f32
      %mul3A_63 = arith.mulf %mul3A_43, %mul3A_62 : f32
      %add3A_64 = arith.addf %mul3A_61, %mul3A_63 : f32
      %swap3A_65 = arith.constant 0 : index
      %swap3A_66 = arith.constant 0 : index
      %swap3A_67 = memref.load %arg8[%swap3A_65, %swap3A_66] : memref<1x1xf32, #tpu.memory_space<smem>>
      memref.store %add3A_64, %arg8[%swap3A_65, %swap3A_66] : memref<1x1xf32, #tpu.memory_space<smem>>
    } else {
    }
    return
  }
  func.func @transform_0(%arg0: i32) -> (i32, i32) {
    %c0_i32 = arith.constant 0 : i32
    %c0_i32_0 = arith.constant 0 : i32
    %c0_i32_1 = arith.constant 0 : i32
    return %c0_i32, %c0_i32_0 : i32, i32
  }
  func.func @transform_1(%arg0: i32) -> (i32, i32) {
    %c0_i32 = arith.constant 0 : i32
    %c0_i32_0 = arith.constant 0 : i32
    return %arg0, %c0_i32 : i32, i32
  }
  func.func @transform_2(%arg0: i32) -> (i32, i32) {
    %c0_i32 = arith.constant 0 : i32
    %c0_i32_0 = arith.constant 0 : i32
    return %arg0, %c0_i32 : i32, i32
  }
  func.func @transform_3(%arg0: i32) -> (i32, i32) {
    %c0_i32 = arith.constant 0 : i32
    %c0_i32_0 = arith.constant 0 : i32
    return %arg0, %c0_i32 : i32, i32
  }
  func.func @transform_4(%arg0: i32) -> (i32, i32) {
    %c0_i32 = arith.constant 0 : i32
    %c0_i32_0 = arith.constant 0 : i32
    return %arg0, %c0_i32 : i32, i32
  }
  func.func @transform_5(%arg0: i32) -> (i32, i32) {
    %c0_i32 = arith.constant 0 : i32
    %c0_i32_0 = arith.constant 0 : i32
    %c0_i32_1 = arith.constant 0 : i32
    return %c0_i32, %c0_i32_0 : i32, i32
  }
  func.func @transform_6(%arg0: i32) -> (i32, i32) {
    %c0_i32 = arith.constant 0 : i32
    %c0_i32_0 = arith.constant 0 : i32
    %c0_i32_1 = arith.constant 0 : i32
    return %c0_i32, %c0_i32_0 : i32, i32
  }
  func.func @transform_7(%arg0: i32) -> (i32, i32) {
    %c0_i32 = arith.constant 0 : i32
    %c0_i32_0 = arith.constant 0 : i32
    %c0_i32_1 = arith.constant 0 : i32
    return %c0_i32, %c0_i32_0 : i32, i32
  }
}

</mosaic_0001>

<sc_bundles>
// kernel: kernel.4.cloned.1.call-start
scs
__scs_entry_jumppad:
0x0: {  	(pc) =	sbr.rel $0x88, $3  }
0x1: {  	(tag) =	ssettag $0x0;
	lr =	simm.s32 $0x1  }
0x2: {  	[smem:$0x3F99] =	sst lr;
	_ =	strace $0xD0000000  }
0x3: {  	_ = 	snop  }
0x4: {  	_ = 	snop  }
0x5: {  	_ = 	snop  }
0x6: {  	_ = 	snop  }
0x7: {  	_ = 	snop  }
__scs_overlays_trampoline_lowered:
0x8: {  	[smem:$0x3FA8] =	sst s0  }
0x9: {  	[smem:$0x3FA9] =	sst s1  }
0xa: {  	[smem:$0x3FAA] =	sst s2  }
0xb: {  	[smem:$0x3FAB] =	sst s3  }
0xc: {  	[smem:$0x3FAC] =	sst s4  }
0xd: {  	[smem:$0x3FAD] =	sst s5  }
0xe: {  	[smem:$0x3FAE] =	sst s6  }
0xf: {  	[smem:$0x3FAF] =	sst s7  }
0x10: {  	[smem:$0x3FB0] =	sst s8  }
0x11: {  	[smem:$0x3FB1] =	sst s9;
	s0 =	simm.s32 @!p0 $0x0  }
0x12: {  	s1 =	sld [smem:$0x3F97];
	s0 =	simm.s32 @p0 $0x1  }
0x13: {  	[smem:$0x3FB2] =	sst s0;
	s0 =	simm.s32 @!p1 $0x0  }
0x14: {  	s2 =	sld [smem:$0x3F96];
	s0 =	simm.s32 @p1 $0x1  }
0x15: {  	[smem:$0x3FB3] =	sst s0;
	s0 =	simm.s32 @!p2 $0x0  }
0x16: {  	s3 =	sld [smem:$0x3FDB];
	s0 =	simm.s32 @p2 $0x1  }
0x17: {  	s4 =	simm.s32 $0x1BF5;
	[smem:$0x3FB5] =	sst s0  }
0x18: {  	s0 =	sld [smem:$0x3F98];
	_ =	swait.ge [sflag:s4], $0x0  }
0x19: {  	s7 =	sld [smem:$0x3F99]  }
0x1a: {  	s8 =	sadd.s32 $0xFFFFE003, lr  }
0x1b: {  	s9 =	sadd.s32 $0xFFFFFEF7, lr;
	s5 =	simm.s32 $0xFFFFFFFF;
	p2 =	slt.u32 s8, $0xFFFFF086  }
0x1c: {  	p1 =	slt.u32 s9, $0xF7A;
	s5 =	simm.s32 @!p2 $0x0  }
0x1d: {  	s5 =	simm.s32 @p1 $0x1;
	p0 =	seq.s32 s7, s2  }
0x1e: {  	s7 =	smul.u32 @!p0 $0xF7A, s2;
	p2 =	seq.s32 @!p0 s5, $0x0  }
0x1f: {  	s9 =	smul.u32 $0xF7A, s1;
	s8 =	simm.s32 @!p0 $0x1BF5;
	p2 =	por !p2, p0  }
0x20: {  	[sflag:s8] =	ssyncset.s32 @!p0 $0xFFFFF086;
	s6 =	sadd.s32 @!p0 s3, s7;
	s7 =	simm.s32 @!p0 $0x108  }
0x21: {  	s3 =	sadd.s32 s3, s9;
	s6 =	sadd.s32 @!p0 $0x88, s6;
	s7 =	simm.s32 @p2 $0x1082  }
0x22: {  	[simem:s7], [sflag:s8] =	dma.local @!p0 [hbm:s6], $0xF7A  }
0x23: {  	s9 =	sor.u32 $0xD0000000, s2;
	s6 =	simm.s32 $0x108;
	_ =	swait.ge @!p0 [sflag:s8], $0x0  }
0x24: {  	s3 =	sadd.s32 $0x88, s3;
	s6 =	simm.s32 @!p1 $0x1082;
	[sflag:s4] =	ssyncset.s32 $0xFFFFF086  }
0x25: {  	[simem:s6], [sflag:s4] =	dma.local [hbm:s3], $0xF7A  }
0x26: {  	[smem:$0x3F99] =	sst s1;
	(tag) =	ssettag s2;
	_ =	strace s9  }
0x27: {  	s1 =	sld [smem:$0x3FA9]  }
0x28: {  	s2 =	sld [smem:$0x3FAA]  }
0x29: {  	s4 =	sld [smem:$0x3FAC]  }
0x2a: {  	p0 =	seq.s32 s5, $0x0;
	s5 =	sld [smem:$0x3FAD]  }
0x2b: {  	s6 =	sld [smem:$0x3FAE]  }
0x2c: {  	s7 =	sld [smem:$0x3FAF]  }
0x2d: {  	s3 =	simm.s32 $0x108;
	s8 =	sld [smem:$0x3FB0]  }
0x2e: {  	s3 =	simm.s32 @!p0 $0x1082;
	s9 =	sld [smem:$0x3FB1]  }
0x2f: {  	lr =	sadd.s32 s0, s3;
	s0 =	sld [smem:$0x3FA8]  }
0x30: {  	s3 =	sld [smem:$0x3FAB]  }
0x31: {  	[smem:$0x3FB4] =	sst s10  }
0x32: {  	s10 =	sld [smem:$0x3FB2];
	_ =	sdelay $0x3  }
0x33: {  	p0 =	seq.s32 s10, $0x1;
	s10 =	sld [smem:$0x3FB4];
	_ =	sdelay $0x3  }
0x34: {  	[smem:$0x3FB4] =	sst s10  }
0x35: {  	s10 =	sld [smem:$0x3FB3];
	_ =	sdelay $0x3  }
0x36: {  	p1 =	seq.s32 s10, $0x1;
	s10 =	sld [smem:$0x3FB4];
	_ =	sdelay $0x3  }
0x37: {  	[smem:$0x3FB4] =	sst s10  }
0x38: {  	s10 =	sld [smem:$0x3FB5]  }
0x39: {  	_ = 	snop;
	(pc) =	sbr.ind lr, $3  }
0x3a: {  	_ = 	snop  }
0x3b: {  	_ = 	snop  }
0x3c: {  	p2 =	seq.s32 s10, $0x1;
	s10 =	sld [smem:$0x3FB4]  }
0x3d: {  	_ =	shalt  }
0x3e: {  	_ =	shalt  }
0x3f: {  	_ =	shalt  }
0x40: {  	_ =	shalt  }
0x41: {  	_ =	shalt  }
0x42: {  	_ =	shalt  }
0x43: {  	_ =	shalt  }
0x44: {  	_ =	shalt  }
0x45: {  	_ =	shalt  }
0x46: {  	_ =	shalt  }
0x47: {  	_ =	shalt  }
0x48: {  	_ =	shalt  }
0x49: {  	_ =	shalt  }
0x4a: {  	_ =	shalt  }
0x4b: {  	_ =	shalt  }
0x4c: {  	_ =	shalt  }
0x4d: {  	_ =	shalt  }
0x4e: {  	_ =	shalt  }
0x4f: {  	_ =	shalt  }
0x50: {  	_ =	shalt  }
0x51: {  	_ =	shalt  }
0x52: {  	_ =	shalt  }
0x53: {  	_ =	shalt  }
0x54: {  	_ =	shalt  }
0x55: {  	_ =	shalt  }
0x56: {  	_ =	shalt  }
0x57: {  	_ =	shalt  }
0x58: {  	_ =	shalt  }
0x59: {  	_ =	shalt  }
0x5a: {  	_ =	shalt  }
0x5b: {  	_ =	shalt  }
0x5c: {  	_ =	shalt  }
0x5d: {  	_ =	shalt  }
0x5e: {  	_ =	shalt  }
0x5f: {  	_ =	shalt  }
0x60: {  	_ =	shalt  }
0x61: {  	_ =	shalt  }
0x62: {  	_ =	shalt  }
0x63: {  	_ =	shalt  }
0x64: {  	_ =	shalt  }
0x65: {  	_ =	shalt  }
0x66: {  	_ =	shalt  }
0x67: {  	_ =	shalt  }
0x68: {  	_ =	shalt  }
0x69: {  	_ =	shalt  }
0x6a: {  	_ =	shalt  }
0x6b: {  	_ =	shalt  }
0x6c: {  	_ =	shalt  }
0x6d: {  	_ =	shalt  }
0x6e: {  	_ =	shalt  }
0x6f: {  	_ =	shalt  }
0x70: {  	_ =	shalt  }
0x71: {  	_ =	shalt  }
0x72: {  	_ =	shalt  }
0x73: {  	_ =	shalt  }
0x74: {  	_ =	shalt  }
0x75: {  	_ =	shalt  }
0x76: {  	_ =	shalt  }
0x77: {  	_ =	shalt  }
0x78: {  	_ =	shalt  }
0x79: {  	_ =	shalt  }
0x7a: {  	_ =	shalt  }
0x7b: {  	_ =	shalt  }
0x7c: {  	_ =	shalt  }
0x7d: {  	_ =	shalt  }
0x7e: {  	_ =	shalt  }
0x7f: {  	_ =	shalt  }
0x80: {  	_ =	shalt  }
0x81: {  	_ =	shalt  }
0x82: {  	_ =	shalt  }
0x83: {  	_ =	shalt  }
0x84: {  	_ =	shalt  }
0x85: {  	_ =	shalt  }
0x86: {  	_ =	shalt  }
0x87: {  	_ =	shalt  }
.Lfunc_end0:
.L_simem_size_0:
called_computation_lowered:
.L_overlay_start_0:
0x88: {  	s2 =	sld [smem:$0x3FD9]  }
0x89: {  	s3 =	sld [smem:$0x3FFE];
	_ =	sdelay $0x1  }
0x8a: {  	s1 =	srdreg.scid  }
0x8b: {  	s0 =	sand.u32 $0x1, s1  }
0x8c: {  	s17 =	sshll.u32 s0, $0xA;
	s2 =	sadd.s32 s3, s2  }
0x8d: {  	s2 =	sadd.s32 s2, s17  }
0x8e: {  	[smem:$0x3FC0] =	sst s2  }
0x8f: {  	_ = 	snop  }
0x90: {  	s2 =	sld [smem:$0x3FC9]  }
0x91: {  	s18 =	sld [smem:$0x3FC8]  }
0x92: {  	s4 =	sld [smem:$0x3FC7]  }
0x93: {  	s5 =	sld [smem:$0x3FC6]  }
0x94: {  	s6 =	sld [smem:$0x3FC5]  }
0x95: {  	s7 =	sld [smem:$0x3FC3];
	(tm) =	ssettm $0x1  }
0x96: {  	s8 =	sld [smem:$0x3FFB];
	_ =	sdelay $0x3  }
0x97: {  	_ =	strace s8  }
0x98: {  	s8 =	sld [smem:$0x3FFC];
	_ =	sdelay $0x3  }
0x99: {  	_ =	strace s8  }
0x9a: {  	s8 =	sld [smem:$0x3FFD];
	_ =	sdelay $0x3  }
0x9b: {  	_ =	strace s8  }
0x9c: {  	_ =	strace $0x8FFFFFFF  }
0x9d: {  	s19 =	sld [smem:$0x3FDB];
	_ =	sdelay $0x1  }
0x9e: {  	s9 =	simm.s32 $_scs_section_size  }
0x9f: {  	s10 =	simm.s32 $_size__tile_overlayer_lowered;
	s11 =	simm.s32 $_tile_overlayer_lowered  }
0xa0: {  	s22 =	simm.s32 $0x1BFF;
	s21 =	sshll.u32 s11, $0x1;
	s8 =	sadd.s32 s9, s19  }
0xa1: {  	s12 =	simm.s32 $0x0;
	s20 =	sshll.u32 s10, $0x1;
	s10 =	sadd.s32 s21, s8  }
0xa2: {  	[timem:s12], [sflag:s22] =	dma.local [hbm:s10], s20  }
0xa3: {  	_ =	swait.ge [sflag:s22], s20  }
0xa4: {  	s9 =	ssub.s32 $0x0, s20;
	[sflag:s22] =	ssyncset.done $0x0  }
0xa5: {  	[sflag:s22] =	ssyncadd.s32 s9;
	_ =	sdelay $0x1  }
0xa6: {  	s23 =	simm.s32 $0x1B8B  }
0xa7: {  	_ =	swait.ge [sflag:s23], $0x1  }
0xa8: {  	[sflag:s23] =	ssyncset.done $0x0  }
0xa9: {  	s25 =	simm.s32 $0x1B8E;
	s24 =	sld [smem:$0x3FFE];
	[sflag:s23] =	ssyncadd.s32 $0xFFFFFFFF  }
0xaa: {  	s26 =	simm.s32 $execute0_lowered;
	[smem:$0x3FD2] =	sst s25  }
0xab: {  	s10 =	sshll.u32 s26, $0x1;
	_ =	strace $0x80000046;
	[dreg:$0x1] =	wrdreg $0xFFFFFFFF  }
0xac: {  	s28 =	simm.s32 $_size_execute0_lowered;
	s8 =	sadd.s32 s8, s10;
	[dreg:$0x0] =	wrdreg $0x0  }
0xad: {  	s10 =	sshll.u32 s28, $0x1;
	[dreg:$0x2] =	wrdreg s8  }
0xae: {  	[dreg:$0x3] =	wrdreg s10  }
0xaf: {  	[dreg:$0x4] =	wrdreg $0xC0  }
0xb0: {  	_ =	task [dreg:s12], $0x5FFFF  }
0xb1: {  	[dreg:$0x1] =	wrdreg $0xFFFFFFFF  }
0xb2: {  	[dreg:$0x0] =	wrdreg $0x60  }
0xb3: {  	[dreg:$0x2] =	wrdreg s2  }
0xb4: {  	[dreg:$0x3] =	wrdreg s18  }
0xb5: {  	[dreg:$0x4] =	wrdreg s4  }
0xb6: {  	[dreg:$0x5] =	wrdreg s5  }
0xb7: {  	[dreg:$0x6] =	wrdreg s6  }
0xb8: {  	[dreg:$0x7] =	wrdreg s24  }
0xb9: {  	[dreg:$0x8] =	wrdreg s7  }
0xba: {  	[dreg:$0x9] =	wrdreg $0x9  }
0xbb: {  	_ =	task.clear_ibuf [dreg:s12], $0xAFFFF;
	_ =	strace $0x90000046  }
0xbc: {  	s29 =	simm.s32 $0x9;
	_ =	strace $0x80000048  }
0xbd: {  	_ =	swait.ge [sflag:s29], $0x1  }
0xbe: {  	[sflag:s29] =	ssyncadd.s32 $0xFFFFFFFF  }
0xbf: {  	_ =	strace $0x90000048  }
0xc0: {  	_ =	sfence  }
0xc1: {  	s30 =	sld [smem:$0x0];
	_ =	sdelay $0x2  }
0xc2: {  	s31 =	sshll.u32 s1, $0xD;
	s1 =	sshrl.u32 s1, $0x2  }
0xc3: {  	s3 =	sand.u32 $0x4000, s31;
	s1 =	sadd.s32 s1, s30  }
0xc4: {  	s0 =	sor.u32 s3, s0;
	s1 =	sshll.u32 s1, $0x11  }
0xc5: {  	s0 =	sor.u32 s1, s0  }
0xc6: {  	s0 =	sadd.s32 $0x8F2B, s0  }
0xc7: {  	[sflag:s0] =	ssyncadd.remote.s32 $0x1  }
0xc8: {  	_ =	sfence.sel $0xFFFF  }
0xc9: {  	[dreg:$0x0] =	wrdreg $0xFFFFFFFF;
	(pc) =	sbr.abs _section_cstart, $3  }
0xca: {  	[dreg:$0x1] =	wrdreg $0xFFFFFFFF  }
0xcb: {  	_ =	task.clear_ibuf [dreg:s12], $0x2FFFF;
	_ =	strace $0x9FFFFFFF  }
0xcc: {  	(tm) =	ssettm $0x7FFFFFFF  }
0xcd: {  	_ =	shalt  }
tec
execute0_lowered:
.L_overlay_start_1:
0x0: {  	(tag) =	ssettag $0x1  }
0x1: {  	s3 =	rddreg [dreg:$0x2]  }
0x2: {  	s4 =	rddreg [dreg:$0x3]  }
0x3: {  	s0 =	rddreg [dreg:$0x4];
	s1 =	srdreg.scid  }
0x4: {  	s5 =	stileid.u32;
	s2 =	rddreg [dreg:$0x5]  }
0x5: {  	s14 =	rddreg [dreg:$0x6];
	s6 =	simm.s32 $0x0;
	s18 =	simm.s32 $0x3  }
0x6: {  	s19 =	simm.s32 $0x7D0;
	s20 =	simm.s32 $0x6200;
	s21 =	simm.s32 $0xC400  }
0x7: {  	s22 =	simm.s32 $0x12600;
	s23 =	simm.s32 $0x18800;
	s24 =	simm.s32 $0x1  }
0x8: {  	s25 =	simm.s32 $0x2;
	s26 =	simm.s32 $0x1EA00;
	s28 =	simm.s32 $0x61A8  }
0x9: {  	s29 =	simm.s32 $0x0;
	s1 =	sand.u32 $0x1, s1;
	s5 =	sshll.u32 s5, $0x1  }
0xa: {  	[smem:$0x7FF] =	sst s6;
	s15 =	sadd.s32 $0x4200, s2;
	s5 =	sor.u32 s1, s5  }
0xb: {  	_ =	strace $0x80000047;
	s1 =	ssub.s32 $0x2, s1;
	s7 =	smul.u32 $0xFA, s5  }
0xc: {  	s8 =	sshll.u32 s5, $0x4;
	s30 =	sshrl.u32 s1, $0x1;
	s11 =	smul.u32 $0xC350, s5  }
0xd: {  	p0 =	sgt.u32 s5, $0x18;
	s10 =	sadd.s32 s8, s2;
	s1 =	ssub.s32 s1, s30  }
0xe: {  	s9 =	sadd.s32 s7, s2;
	s2 =	sadd.s32 $0x35000, s2;
	s0 =	sadd.s32 s0, s7  }
.Ltmp0:
0xf: {  	s31 =	sadd.s32 $0x61A8, s11;
	s13 =	sshrl.u32 s11, $0x3;
	(pc) =	sbr.rel .LBB2_1-.Ltmp0, $4  }
0x10: {  	s10 =	sadd.s32 $0x65E00, s10;
	s17 =	smax.u32 s1, $0x1;
	[dreg:$0x8] =	wrdreg s0  }
0x11: {  	s8 =	sadd.s32 $0x2800, s9;
	s9 =	sadd.s32 $0xE00, s9;
	s11 =	sadd.s32 s14, s13  }
0x12: {  	s0 =	sshrl.u32 s31, $0x3;
	s12 =	sadd.s32 s15, s13;
	s13 =	sadd.s32 s2, s13  }
0x13: {  	v0 =	vimm.f32 $0.0e+00;
	s14 =	sadd.s32 s14, s0;
	s15 =	sadd.s32 s15, s0;
	s16 =	sadd.s32 s2, s0  }
.LBB2_4:
0x14: {  	v7 =	vadd.f32 $1.000000000e+00, v7  }
0x15: {  	v18 =	vadd.f32 $2.000000000e+00, v8  }
0x16: {  	(erf) = vrcp.f32 v7  }
0x17: {  	(erf) = vrcp.f32 v18;
	_ =	sdelay $0x3  }
0x18: {  	v24 =	vmul.f32 v17, v1;
	v10 =	vsub.f32 v12, v10  }
0x19: {  	v25 =	vmul.f32 v16, v6;
	v9 =	vmul.f32 v14, v9;
	v13 =	vadd.f32 v15, v13;
	v28 =	vld [tilespmem:s5+$0x6200]  }
0x1a: {  	v26 =	vpop (erf);
	v30 =	vld [tilespmem:s5+$0x12600];
	v27 =	vmul.f32 v24, v24;
	v10 =	vmul.f32 v10, v10  }
0x1b: {  	v12 =	vadd.f32 $4.000000060e-01, v25;
	v29 =	vpop (erf);
	v9 =	vadd.f32 $2.000000000e+00, v9;
	v11 =	vmul.f32 v13, v11  }
0x1c: {  	v1 =	vadd.f32 $1.000000000e+00, v1;
	v31 =	vmul.f32 v29, v4;
	v32 =	vmul.f32 $2.222222240e-01, v27;
	v19 =	vpop (erf)  }
0x1d: {  	v43 =	vadd.f32 $1.000000000e+00, v4;
	v47 =	vld [tilespmem:s30+$0x6200];
	v12 =	vmul.f32 v12, v6;
	v5 =	vmul.f32 v9, v5;
	v20 =	vpop (erf)  }
0x1e: {  	v48 =	vld [tilespmem:s30+$0x12600];
	v49 =	vadd.f32 $1.000000000e+00, v8;
	v33 =	vmul.f32 v31, v31;
	v35 =	vmul.f32 v20, v8  }
0x1f: {  	v10 =	vmul.f32 v10, v26;
	(erf) = vrcp.f32 v1;
	v15 =	vsub.f32 v30, v28  }
0x20: {  	v34 =	vadd.f32 $2.857142980e-01, v32;
	v21 =	vmul.f32 $2.222222240e-01, v33;
	v37 =	vmul.f32 v35, v35  }
0x21: {  	(erf) = vrcp.f32 v43;
	v12 =	vadd.f32 $6.666666860e-01, v12;
	v5 =	vmul.f32 $5.000000000e-01, v5  }
0x22: {  	v16 =	vmul.f32 v34, v27;
	v39 =	vadd.f32 $2.857142980e-01, v21;
	v41 =	vmul.f32 $2.222222240e-01, v37  }
0x23: {  	v4 =	vsub.f32 v48, v47;
	v45 =	vmul.f32 v15, v15;
	v38 =	vmul.f32 v12, v6  }
0x24: {  	v36 =	vld [tilespmem:s2+$0x18800];
	v40 =	vadd.f32 $4.000000060e-01, v16;
	v12 =	vmul.f32 v39, v33;
	v16 =	vadd.f32 $2.857142980e-01, v41  }
0x25: {  	v42 =	vld [tilespmem:s31+$0x12600];
	v4 =	vmul.f32 v4, v4;
	v5 =	vadd.f32 v5, v10;
	v6 =	vadd.f32 $2.000000000e+00, v38  }
0x26: {  	v1 =	vld [tilespmem:s31+$0x6200];
	v10 =	vmul.f32 v40, v27;
	v44 =	vadd.f32 $4.000000060e-01, v12;
	v46 =	vmul.f32 v16, v37  }
0x27: {  	(erf) = vrcp.f32 v49;
	v3 =	vmul.f32 v6, v3  }
0x28: {  	v50 =	vld [tilespmem:s5+$0x18800];
	v10 =	vadd.f32 $6.666666860e-01, v10;
	v6 =	vmul.f32 v44, v33;
	v15 =	vadd.f32 $4.000000060e-01, v46  }
0x29: {  	v51 =	vld [tilespmem:s0+$0x6200];
	v12 =	vmul.f32 v45, v19;
	v3 =	vmul.f32 $5.000000000e-01, v3  }
0x2a: {  	v52 =	vld [tilespmem:s0+$0x12600];
	v10 =	vmul.f32 v10, v27;
	v6 =	vadd.f32 $6.666666860e-01, v6;
	v15 =	vmul.f32 v15, v37  }
0x2b: {  	v1 =	vsub.f32 v42, v1;
	v5 =	vmul.f32 v5, v36;
	v3 =	vadd.f32 v3, v12  }
0x2c: {  	v10 =	vadd.f32 $2.000000000e+00, v10;
	v6 =	vmul.f32 v6, v33;
	v54 =	vadd.f32 $6.666666860e-01, v15  }
0x2d: {  	v2 =	vadd.f32 v11, v2;
	v1 =	vmul.f32 v1, v1;
	v3 =	vmul.f32 v3, v50  }
0x2e: {  	v53 =	vpop (erf);
	v7 =	vmul.f32 v10, v24;
	v6 =	vadd.f32 $2.000000000e+00, v6;
	v11 =	vmul.f32 v54, v37  }
0x2f: {  	v55 =	vld [tilespmem:s31+$0x18800];
	v2 =	vadd.f32 v5, v2;
	v8 =	vsub.f32 v52, v51;
	v1 =	vmul.f32 v1, v53  }
0x30: {  	v57 =	vpop (erf);
	v7 =	vmul.f32 $5.000000000e-01, v7;
	v56 =	vmul.f32 v6, v31;
	v58 =	vadd.f32 $2.000000000e+00, v11  }
0x31: {  	v59 =	vld [tilespmem:s30+$0x18800];
	v4 =	vmul.f32 v4, v57;
	v60 =	vmul.f32 v8, v8;
	v2 =	vadd.f32 v3, v2  }
0x32: {  	v3 =	vpop (erf);
	v1 =	vadd.f32 v7, v1;
	v5 =	vmul.f32 $5.000000000e-01, v56;
	v61 =	vmul.f32 v58, v35  }
0x33: {  	v62 =	vld [tilespmem:s0+$0x18800];
	v3 =	vmul.f32 v60, v3  }
0x34: {  	v1 =	vmul.f32 v1, v55;
	v4 =	vadd.f32 v5, v4;
	v63 =	vmul.f32 $5.000000000e-01, v61;
	_ =	sdelay $0x1  }
0x35: {  	v1 =	vadd.f32 v1, v2;
	v2 =	vmul.f32 v4, v59;
	v3 =	vadd.f32 v63, v3;
	_ =	sdelay $0x1  }
0x36: {  	v1 =	vadd.f32 v2, v1;
	v2 =	vmul.f32 v3, v62;
	_ =	sdelay $0x1  }
0x37: {  	v1 =	vadd.f32 v2, v1;
	_ =	sdelay $0x1  }
0x38: {  	[tilespmem:$0x1EA00] =	vst v1  }
.LBB2_5:
0x39: {  	[hbm4b:s10+s6] =	stream.linear.scatter [tilespmem:s26], [sflag:$0x3], $0x80, $0x38;
	[tilespmem:$0x1EA80] =	vst v63  }
0x3a: {  	_ =	swait.ge [sflag:s18], $0x80  }
0x3b: {  	[sflag:s18] =	ssyncset.done $0x0  }
0x3c: {  	[sflag:s18] =	ssyncadd.s32 $0xFFFFFF80  }
0x3d: {  	[tilespmem:s6], [sflag:$0x3] =	stream.linear.gather [hbm4b:s11+s6], $0x61A8, $0x38;
	[tilespmem:$0x1EA80] =	vst v63  }
0x3e: {  	_ =	swait.ge [sflag:s18], $0x61A8  }
0x3f: {  	[sflag:s18] =	ssyncset.done $0x0  }
0x40: {  	[sflag:s18] =	ssyncadd.s32 $0xFFFF9E58  }
0x41: {  	[tilespmem:s20], [sflag:$0x1] =	stream.indirect.gather [hbm4b:s3+s28], $0x1, s6, s28, $0xb8;
	[tilespmem:$0x1EA80] =	vst v63  }
0x42: {  	_ = 	snop  }
0x43: {  	[tilespmem:s21], [sflag:$0x1] =	stream.indirect.gather [hbm4b:s4+s28], $0x1, s6, s28, $0xb8;
	[tilespmem:$0x1EA80] =	vst v63  }
0x44: {  	_ =	swait.ge [sflag:s24], $0x61A8  }
0x45: {  	[sflag:s24] =	ssyncset.done $0x0  }
0x46: {  	[sflag:s24] =	ssyncadd.s32 $0xFFFF9E58  }
0x47: {  	_ =	swait.ge [sflag:s24], $0x61A8  }
0x48: {  	[sflag:s24] =	ssyncset.done $0x0  }
0x49: {  	[sflag:s24] =	ssyncadd.s32 $0xFFFF9E58  }
0x4a: {  	[hbm4b:s12+s6] =	stream.linear.scatter [tilespmem:s20], [sflag:$0x2], $0x61A8, $0x38;
	[tilespmem:$0x1EA80] =	vst v63  }
0x4b: {  	_ = 	snop  }
0x4c: {  	[hbm4b:s13+s6] =	stream.linear.scatter [tilespmem:s21], [sflag:$0x2], $0x61A8, $0x38;
	[tilespmem:$0x1EA80] =	vst v63  }
0x4d: {  	_ = 	snop  }
0x4e: {  	[tilespmem:s6], [sflag:$0x3] =	stream.linear.gather [hbm4b:s14+s6], $0x61A8, $0x38;
	[tilespmem:$0x1EA80] =	vst v63  }
0x4f: {  	_ =	swait.ge [sflag:s18], $0x61A8  }
0x50: {  	[sflag:s18] =	ssyncset.done $0x0  }
0x51: {  	[sflag:s18] =	ssyncadd.s32 $0xFFFF9E58  }
0x52: {  	[tilespmem:s22], [sflag:$0x1] =	stream.indirect.gather [hbm4b:s3+s28], $0x1, s6, s28, $0xb8;
	[tilespmem:$0x1EA80] =	vst v63  }
0x53: {  	_ = 	snop  }
0x54: {  	[tilespmem:s23], [sflag:$0x1] =	stream.indirect.gather [hbm4b:s4+s28], $0x1, s6, s28, $0xb8;
	[tilespmem:$0x1EA80] =	vst v63  }
0x55: {  	_ =	swait.ge [sflag:s24], $0x61A8  }
0x56: {  	[sflag:s24] =	ssyncset.done $0x0  }
0x57: {  	[sflag:s24] =	ssyncadd.s32 $0xFFFF9E58  }
0x58: {  	_ =	swait.ge [sflag:s24], $0x61A8  }
0x59: {  	[sflag:s24] =	ssyncset.done $0x0  }
0x5a: {  	[sflag:s24] =	ssyncadd.s32 $0xFFFF9E58  }
0x5b: {  	[hbm4b:s15+s6] =	stream.linear.scatter [tilespmem:s22], [sflag:$0x2], $0x61A8, $0x38;
	[tilespmem:$0x1EA80] =	vst v63  }
0x5c: {  	_ = 	snop  }
0x5d: {  	[hbm4b:s16+s6] =	stream.linear.scatter [tilespmem:s23], [sflag:$0x2], $0x61A8, $0x38;
	[tilespmem:$0x1EA80] =	vst v63  }
0x5e: {  	_ =	swait.ge [sflag:s25], $0x61A8  }
0x5f: {  	[sflag:s25] =	ssyncset.done $0x0  }
0x60: {  	[sflag:s25] =	ssyncadd.s32 $0xFFFF9E58  }
0x61: {  	_ =	swait.ge [sflag:s25], $0x61A8  }
0x62: {  	[sflag:s25] =	ssyncset.done $0x0  }
0x63: {  	s29 =	sadd.s32 $0x1, s29;
	[sflag:s25] =	ssyncadd.s32 $0xFFFF9E58  }
0x64: {  	p1 =	sne.s32 s29, s17;
	_ =	swait.ge [sflag:s25], $0x61A8  }
.Ltmp1:
0x65: {  	[sflag:s25] =	ssyncset.done $0x0;
	(pc) =	sbr.rel @!p1 .LBB2_6-.Ltmp1, $4  }
0x66: {  	[sflag:s25] =	ssyncadd.s32 $0xFFFF9E58  }
0x67: {  	_ =	swait.ge [sflag:s25], $0x61A8  }
0x68: {  	[sflag:s25] =	ssyncset.done $0x0  }
0x69: {  	[sflag:s25] =	ssyncadd.s32 $0xFFFF9E58  }
.LBB2_1:
.Ltmp2:
0x6a: {  	(pc) =	sbr.rel @p0 .LBB2_5-.Ltmp2, $2  }
0x6b: {  	_ =	sdelay $0x2  }
0x6c: {  	[tilespmem:$0x1EA00] =	vst v0  }
0x6d: {  	s0 =	simm.s32 $0x0;
	s1 =	rddreg [dreg:$0x8]  }
0x6e: {  	[tilespmem:s0], [sflag:$0x3] =	stream.linear.gather [hbm4b:s1+s0], $0x7D0, $0x38;
	[tilespmem:$0x1EA80] =	vst v63  }
0x6f: {  	_ =	swait.ge [sflag:s18], $0x7D0  }
0x70: {  	[sflag:s18] =	ssyncset.done $0x0  }
0x71: {  	[sflag:s18] =	ssyncadd.s32 $0xFFFFF830  }
0x72: {  	s2 =	rddreg [dreg:$0x0]  }
0x73: {  	[tilespmem:s20], [sflag:$0x1] =	stream.indirect.gather [hbm4b:s2+s19], $0x1, s0, s19, $0xb8;
	[tilespmem:$0x1EA80] =	vst v63  }
0x74: {  	s5 =	rddreg [dreg:$0x1]  }
0x75: {  	[tilespmem:s21], [sflag:$0x1] =	stream.indirect.gather [hbm4b:s5+s19], $0x1, s0, s19, $0xb8;
	[tilespmem:$0x1EA80] =	vst v63  }
0x76: {  	_ = 	snop  }
0x77: {  	[tilespmem:s22], [sflag:$0x2] =	stream.linear.gather [hbm4b:s8+s0], $0x7D0, $0x38;
	[tilespmem:$0x1EA80] =	vst v63  }
0x78: {  	_ = 	snop  }
0x79: {  	[tilespmem:s23], [sflag:$0x2] =	stream.linear.gather [hbm4b:s9+s0], $0x7D0, $0x38;
	[tilespmem:$0x1EA80] =	vst v63  }
0x7a: {  	_ =	swait.ge [sflag:s24], $0x7D0  }
0x7b: {  	[sflag:s24] =	ssyncset.done $0x0  }
0x7c: {  	[sflag:s24] =	ssyncadd.s32 $0xFFFFF830  }
0x7d: {  	_ =	swait.ge [sflag:s24], $0x7D0  }
0x7e: {  	[sflag:s24] =	ssyncset.done $0x0  }
0x7f: {  	[sflag:s24] =	ssyncadd.s32 $0xFFFFF830  }
0x80: {  	_ =	swait.ge [sflag:s25], $0x7D0  }
0x81: {  	[sflag:s25] =	ssyncset.done $0x0  }
0x82: {  	[sflag:s25] =	ssyncadd.s32 $0xFFFFF830  }
0x83: {  	_ =	swait.ge [sflag:s25], $0x7D0  }
0x84: {  	[sflag:s25] =	ssyncset.done $0x0  }
0x85: {  	s7 =	simm.s32 $0x0;
	[sflag:s25] =	ssyncadd.s32 $0xFFFFF830  }
0x86: {  	v2 =	vld [tilespmem:s7+$0xC400];
	_ =	sdelay $0x4  }
0x87: {  	v1 =	vadd.f32 $2.000000000e+00, v2  }
0x88: {  	s2 =	simm.s32 $0x10  }
0x89: {  	v8 =	vld [tilespmem:s2+$0xC400];
	(erf) = vrcp.f32 v1;
	_ =	sdelay $0x4  }
0x8a: {  	v1 =	vadd.f32 $2.000000000e+00, v8;
	_ =	sdelay $0x1  }
0x8b: {  	(erf) = vrcp.f32 v1  }
0x8c: {  	s5 =	simm.s32 $0x20  }
0x8d: {  	v7 =	vld [tilespmem:s5+$0xC400];
	v1 =	vpop (erf)  }
0x8e: {  	v11 =	vmul.f32 v1, v2;
	_ =	sdelay $0x1  }
0x8f: {  	v6 =	vmul.f32 v11, v11;
	_ =	sdelay $0x1  }
0x90: {  	v1 =	vadd.f32 $2.000000000e+00, v7;
	v3 =	vmul.f32 $2.222222240e-01, v6  }
0x91: {  	s31 =	simm.s32 $0x30  }
0x92: {  	v4 =	vpop (erf);
	(erf) = vrcp.f32 v1;
	v1 =	vld [tilespmem:s31+$0xC400];
	v3 =	vadd.f32 $2.857142980e-01, v3  }
0x93: {  	v5 =	vmul.f32 v4, v8  }
0x94: {  	v3 =	vmul.f32 v3, v6  }
0x95: {  	v10 =	vld [tilespmem:s7+$0x6200];
	v2 =	vadd.f32 $1.000000000e+00, v2;
	v9 =	vmul.f32 v5, v5  }
0x96: {  	v12 =	vld [tilespmem:s7+$0x12600];
	v3 =	vadd.f32 $4.000000060e-01, v3  }
0x97: {  	(erf) = vrcp.f32 v2;
	v2 =	vmul.f32 $2.222222240e-01, v9;
	v4 =	vadd.f32 $2.000000000e+00, v1  }
0x98: {  	v3 =	vmul.f32 v3, v6  }
0x99: {  	s30 =	simm.s32 $0x40;
	v2 =	vadd.f32 $2.857142980e-01, v2;
	(erf) = vrcp.f32 v4  }
0x9a: {  	v4 =	vld [tilespmem:s30+$0xC400];
	v14 =	vadd.f32 $6.666666860e-01, v3  }
0x9b: {  	v10 =	vsub.f32 v12, v10;
	v2 =	vmul.f32 v2, v9;
	v13 =	vpop (erf)  }
0x9c: {  	v8 =	vadd.f32 $1.000000000e+00, v8;
	v3 =	vmul.f32 v13, v7;
	v12 =	vmul.f32 v14, v6  }
0x9d: {  	v2 =	vadd.f32 $4.000000060e-01, v2;
	v13 =	vmul.f32 v10, v10;
	v10 =	vld [tilespmem:s2+$0x6200]  }
0x9e: {  	v6 =	vmul.f32 v3, v3;
	v14 =	vadd.f32 $2.000000000e+00, v12;
	v12 =	vld [tilespmem:s2+$0x12600]  }
0x9f: {  	(erf) = vrcp.f32 v8;
	v15 =	vadd.f32 $2.000000000e+00, v4;
	v18 =	vmul.f32 v2, v9  }
0xa0: {  	v8 =	vpop (erf);
	v16 =	vmul.f32 $2.222222240e-01, v6;
	v19 =	vmul.f32 v14, v11  }
0xa1: {  	s0 =	simm.s32 $0x50;
	v2 =	vimm.f32 $0.0e+00;
	(erf) = vrcp.f32 v15;
	v13 =	vmul.f32 v13, v8;
	v11 =	vld [tilespmem:s7+$0x18800]  }
0xa2: {  	s1 =	simm.s32 $0x180;
	v8 =	vld [tilespmem:s0+$0xC400];
	v17 =	vpop (erf);
	v16 =	vadd.f32 $2.857142980e-01, v16;
	v14 =	vadd.f32 $6.666666860e-01, v18;
	v15 =	vmul.f32 $5.000000000e-01, v19  }
.LBB2_3:
0xa3: {  	p1 =	sne.s32 s1, $0x1F00;
	v17 =	vmul.f32 v17, v1;
	v12 =	vsub.f32 v12, v10;
	s7 =	smov.u32 s0  }
0xa4: {  	v16 =	vmul.f32 v16, v6;
	v14 =	vmul.f32 v14, v9;
	v13 =	vadd.f32 v15, v13;
	v9 =	vmovc v6  }
0xa5: {  	v15 =	vadd.f32 $1.000000000e+00, v7;
	v7 =	vmovc v1;
	v1 =	vmovc v4;
	v6 =	vmul.f32 v17, v17;
	v10 =	vld [tilespmem:s5+$0x6200];
	v18 =	vmul.f32 v12, v12  }
.Ltmp3:
0xa6: {  	v16 =	vadd.f32 $4.000000060e-01, v16;
	v14 =	vadd.f32 $2.000000000e+00, v14;
	v11 =	vmul.f32 v13, v11;
	v12 =	vld [tilespmem:s5+$0x12600];
	(pc) =	sbr.rel @p1 .LBB2_3-.Ltmp3, $4  }
0xa7: {  	v4 =	vmovc v8;
	v13 =	vadd.f32 $2.000000000e+00, v8;
	v19 =	vmul.f32 $2.222222240e-01, v6;
	(erf) = vrcp.f32 v15  }
0xa8: {  	v15 =	vmul.f32 v16, v9;
	v20 =	vmul.f32 v14, v5;
	v2 =	vadd.f32 v11, v2;
	v5 =	vpop (erf)  }
0xa9: {  	s0 =	sshra.s32 s1, $0x2;
	(erf) = vrcp.f32 v13;
	v11 =	vld [tilespmem:s2+$0x18800];
	v13 =	vmul.f32 v18, v5;
	v5 =	vmovc v3;
	v3 =	vmov v17;
	s2 =	smov.u32 s5;
	s5 =	smov.u32 s31  }
0xaa: {  	s1 =	sadd.s32 $0x40, s1;
	v16 =	vadd.f32 $2.857142980e-01, v19;
	v14 =	vadd.f32 $6.666666860e-01, v15;
	v15 =	vmul.f32 $5.000000000e-01, v20;
	s31 =	smov.u32 s30;
	s30 =	smov.u32 s7;
	v8 =	vld [tilespmem:s0+$0xC400];
	v17 =	vpop (erf)  }
.Ltmp4:
0xab: {  	_ = 	snop;
	(pc) =	sbr.rel .LBB2_4-.Ltmp4, $1  }
0xac: {  	_ =	sdelay $0x3  }
.LBB2_6:
0xad: {  	_ =	sfence.sel $0x180000  }
0xae: {  	[bflag:$0x0] =	sbarrier.arrive $0xFFFF  }
0xaf: {  	_ =	strace $0x90000047  }
0xb0: {  	s0 =	stileid.u32;
	[bflag:$0x2] =	sbarrier.arrive $0xFFFF  }
0xb1: {  	p0 =	sne.s32 s0, $0x0;
	s0 =	rddreg [dreg:$0x7]  }
0xb2: {  	s0 =	sadd.s32 @!p0 $0x100000, s0  }
0xb3: {  	[sflag:s0] =	ssyncadd.tile.s32 @!p0 $0x1;
	_ =	shalt  }
.Lfunc_end2:
_tile_overlayer_lowered:
.L_overlay_start_2:
0xb4: {  	(tag) =	ssettag $0x2  }
0xb5: {  	s0 =	rddreg [dreg:$0x0];
	s2 =	stileid.u32  }
0xb6: {  	s1 =	rddreg [dreg:$0x1];
	p0 =	sne.s32 s2, $0x0  }
0xb7: {  	s3 =	rddreg [dreg:$0x2];
	[bflag:$0x3] =	sbarrier.arrive $0xFFFF;
	s2 =	simm.s32 @!p0 $0x1C03  }
0xb8: {  	[timem:s3], [sflag:s2] =	dma.local @!p0 [hbm:s0], s1  }
0xb9: {  	s0 =	simm.s32 @!p0 $0x3  }
0xba: {  	_ =	swait.ge @!p0 [sflag:s0], s1  }
0xbb: {  	s1 =	ssub.s32 @!p0 $0x0, s1;
	[sflag:s0] =	ssyncset.done @!p0 $0x0  }
0xbc: {  	[sflag:s0] =	ssyncadd.s32 @!p0 s1  }
0xbd: {  	[bflag:$0x3] =	sbarrier.arrive $0xFFFF  }
0xbe: {  	_ =	shalt  }

</sc_bundles>
